<compile_context>
chip_gen: v7x
topology: tpu7x:2x2x1
jax: 0.10.2.dev20260603
libtpu: 0.0.44.dev20260713+nightly
codegen_flags: <defaults>
</compile_context>

<pallas_src>
import functools
import math

import jax
import jax.numpy as jnp
from jax import lax
from jax.experimental import pallas as pl
from jax.experimental.pallas import tpu as pltpu
from jax.experimental.pallas import tpu_sc as plsc

_DS, _DA, _DR = 64, 32, 32
_DM = _DS + _DA + _DR
_NF = 26
_B, _L = 4096, 50
_N = _B * _L
_EPS = 1e-6

_NC, _NSUB = 2, 16
_NW = _NC * _NSUB
_IDS_PER_GATHER = 128
_CROWS = 5
_CTOK = _CROWS * _IDS_PER_GATHER
_TPW = _N // _NW
_NCH = _TPW // _CTOK


def _sc_gather(sid, aid, rid, song_table, album_table, artist_table):
    mesh = plsc.VectorSubcoreMesh(core_axis_name="c", subcore_axis_name="s")

    @functools.partial(
        pl.kernel,
        mesh=mesh,
        compiler_params=pltpu.CompilerParams(use_tc_tiling_on_sc=False),
        out_type=jax.ShapeDtypeStruct((_N, _DM), jnp.float32),
        scratch_types=[
            pltpu.VMEM((_CTOK,), jnp.int32),
            pltpu.VMEM((_CTOK,), jnp.int32),
            pltpu.VMEM((_CTOK,), jnp.int32),
            pltpu.VMEM((_CTOK, 2 * _DS), jnp.float32),
            pltpu.VMEM((_CTOK, _DA), jnp.float32),
            pltpu.VMEM((_CTOK, _DR), jnp.float32),
            pltpu.SemaphoreType.DMA,
        ],
    )
    def k(sid_h, aid_h, rid_h, st_h, at_h, rt_h, cat_h,
          idx_s, idx_a, idx_r, rows_s, rows_a, rows_r, sem):
        wid = lax.axis_index("s") * _NC + lax.axis_index("c")

        def body(c, carry):
            tbase = (wid * _NCH + c) * _CTOK
            pltpu.sync_copy(sid_h.at[pl.ds(tbase, _CTOK)], idx_s)
            pltpu.sync_copy(aid_h.at[pl.ds(tbase, _CTOK)], idx_a)
            pltpu.sync_copy(rid_h.at[pl.ds(tbase, _CTOK)], idx_r)
            handles = []
            for j in range(_CROWS):
                sl = pl.ds(j * _IDS_PER_GATHER, _IDS_PER_GATHER)
                handles.append(pltpu.async_copy(st_h.at[idx_s.at[sl]], rows_s.at[sl], sem))
                handles.append(pltpu.async_copy(at_h.at[idx_a.at[sl]], rows_a.at[sl], sem))
                handles.append(pltpu.async_copy(rt_h.at[idx_r.at[sl]], rows_r.at[sl], sem))
            for h in handles:
                h.wait()
            rows = pl.ds(tbase, _CTOK)
            pltpu.sync_copy(rows_s.at[:, pl.ds(0, _DS)], cat_h.at[rows, pl.ds(0, _DS)])
            pltpu.sync_copy(rows_a, cat_h.at[rows, pl.ds(_DS, _DA)])
            pltpu.sync_copy(rows_r, cat_h.at[rows, pl.ds(_DS + _DA, _DR)])
            return carry

        lax.fori_loop(0, _NCH, body, 0)

    return k(sid, aid, rid, song_table, album_table, artist_table)


def _tc_pack(tableT, R, D):
    CB = 16384

    def body(in_ref, o_ref):
        xt = jnp.swapaxes(in_ref[...], 0, 1)
        o_ref[...] = jnp.concatenate([xt, xt], axis=1)

    return pl.pallas_call(
        body,
        grid=(pl.cdiv(R, CB),),
        in_specs=[pl.BlockSpec((D, CB), lambda i: (0, i))],
        out_specs=pl.BlockSpec((CB, 2 * D), lambda i: (i, 0)),
        out_shape=jax.ShapeDtypeStruct((R, 2 * D), jnp.float32),
    )(tableT)


def _tc_fused(cat, f2, W, b, alpha, bias):
    TB = 2048
    scale = math.sqrt(_DM)

    def body(cat_ref, f_ref, w_ref, b_ref, al_ref, bi_ref, o_ref):
        en = lax.dot_general(f_ref[...], w_ref[...],
                             (((0,), (0,)), ((), ())),
                             preferred_element_type=jnp.float32)
        y = cat_ref[...] * scale + en + b_ref[...]
        mean = jnp.mean(y, axis=-1, keepdims=True)
        d = y - mean
        var = jnp.sum(d * d, axis=-1, keepdims=True) * (1.0 / (_DM - 1))
        o_ref[...] = al_ref[...] * d / (jnp.sqrt(var) + _EPS) + bi_ref[...]

    return pl.pallas_call(
        body,
        grid=(_N // TB,),
        compiler_params=pltpu.CompilerParams(vmem_limit_bytes=50 * 1024 * 1024),
        in_specs=[
            pl.BlockSpec((TB, _DM), lambda i: (i, 0)),
            pl.BlockSpec((_NF, TB), lambda i: (0, i)),
            pl.BlockSpec((_NF, _DM), lambda i: (0, 0)),
            pl.BlockSpec((1, _DM), lambda i: (0, 0)),
            pl.BlockSpec((1, _DM), lambda i: (0, 0)),
            pl.BlockSpec((1, _DM), lambda i: (0, 0)),
        ],
        out_specs=pl.BlockSpec((TB, _DM), lambda i: (i, 0)),
        out_shape=jax.ShapeDtypeStruct((_N, _DM), jnp.float32),
    )(cat, f2, W, b, alpha, bias)


def kernel(song_ids, album_ids, artist_ids, num_features,
           song_table, album_table, artist_table, W_num, b_num, alpha, bias):
    sid = song_ids.T.reshape(_N)
    aid = album_ids.T.reshape(_N)
    rid = artist_ids.T.reshape(_N)
    featsT = num_features.transpose(2, 1, 0)
    st = _tc_pack(song_table.T, 1000000, _DS)
    at_ = lax.optimization_barrier(album_table.reshape(25000, 128))
    rt = lax.optimization_barrier(artist_table.reshape(25000, 128))
    cat = _sc_gather(sid, aid, rid, st,
                     at_.reshape(100000, 32),
                     rt.reshape(100000, 32))
    out_flat = _tc_fused(cat, featsT.reshape(_NF, _N), W_num,
                         b_num.reshape(1, _DM), alpha.reshape(1, _DM),
                         bias.reshape(1, _DM))
    return out_flat.reshape(_L, _B, _DM).transpose(1, 0, 2)

# --- scband reference (transcript-rebuilt; emitter-appended) ---
"""Pipeline reference for scband-custom-embigging-layer-33835752357943 (READ-ONLY COPY).

The authoritative reference and input builder live on the scoring server;
editing this copy changes nothing except your own understanding.
"""

import jax, jax.numpy as jnp
import numpy as np
import math

NUM_SONGS = 1000000
NUM_ALBUMS = 100000
NUM_ARTISTS = 100000
NUM_FEATURES = 26
D_SONG, D_ALBUM, D_ARTIST = 64, 32, 32
D_MODEL = D_SONG + D_ALBUM + D_ARTIST
B, L = 4096, 50
EPS = 1e-6


def setup_inputs(seed: int = 0) -> dict:
    key = jax.random.key(seed)
    ks = jax.random.split(key, 10)
    song_ids = jax.random.randint(ks[0], (B, L), 0, NUM_SONGS, dtype=jnp.int64 if jax.config.jax_enable_x64 else jnp.int32).astype(jnp.int32)
    album_ids = jax.random.randint(ks[1], (B, L), 0, NUM_ALBUMS).astype(jnp.int32)
    artist_ids = jax.random.randint(ks[2], (B, L), 0, NUM_ARTISTS).astype(jnp.int32)
    num_features = jax.random.normal(ks[3], (B, L, NUM_FEATURES), dtype=jnp.float32)
    song_table = jax.random.normal(ks[4], (NUM_SONGS, D_SONG), dtype=jnp.float32)
    album_table = jax.random.normal(ks[5], (NUM_ALBUMS, D_ALBUM), dtype=jnp.float32)
    artist_table = jax.random.normal(ks[6], (NUM_ARTISTS, D_ARTIST), dtype=jnp.float32)
    bound = 1.0 / math.sqrt(NUM_FEATURES)
    W_num = jax.random.uniform(ks[7], (NUM_FEATURES, D_MODEL), minval=-bound, maxval=bound, dtype=jnp.float32)
    b_num = jax.random.uniform(ks[8], (D_MODEL,), minval=-bound, maxval=bound, dtype=jnp.float32)
    alpha = jnp.ones((D_MODEL,), dtype=jnp.float32)
    bias = jnp.zeros((D_MODEL,), dtype=jnp.float32)
    return {
        'song_ids': song_ids, 'album_ids': album_ids, 'artist_ids': artist_ids,
        'num_features': num_features,
        'song_table': song_table, 'album_table': album_table, 'artist_table': artist_table,
        'W_num': W_num, 'b_num': b_num, 'alpha': alpha, 'bias': bias,
    }


def reference(song_ids, album_ids, artist_ids, num_features,
              song_table, album_table, artist_table, W_num, b_num, alpha, bias):
    e_song = jnp.take(song_table, song_ids, axis=0)
    e_album = jnp.take(album_table, album_ids, axis=0)
    e_artist = jnp.take(artist_table, artist_ids, axis=0)
    e_num = num_features @ W_num + b_num
    x = jnp.concatenate([e_song, e_album, e_artist], axis=-1)
    x = x * math.sqrt(D_MODEL)
    y = x + e_num
    mean = jnp.mean(y, axis=-1, keepdims=True)
    std = jnp.std(y, axis=-1, keepdims=True, ddof=1)
    return alpha * (y - mean) / (std + EPS) + bias

if __name__ == "__main__":
    import jax
    _d = setup_inputs()
    print(jax.jit(kernel)(*tuple(_d.values())))

</pallas_src>

<mosaic_0001>
#map = affine_map<(d0, d1) -> (0)>
#map1 = affine_map<(d0, d1) -> (0, 0)>
module attributes {stable_mosaic.version = 14 : i64} {
  func.func @k(%arg0: i32, %arg1: i32, %arg2: memref<204800xi32, #tpu.memory_space<hbm>>, %arg3: memref<204800xi32, #tpu.memory_space<hbm>>, %arg4: memref<204800xi32, #tpu.memory_space<hbm>>, %arg5: memref<1000000x128xf32, #tpu.memory_space<hbm>>, %arg6: memref<100000x32xf32, #tpu.memory_space<hbm>>, %arg7: memref<100000x32xf32, #tpu.memory_space<hbm>>, %arg8: memref<204800x128xf32, #tpu.memory_space<hbm>>, %arg9: memref<640xi32, #tpu.memory_space<vmem>>, %arg10: memref<640xi32, #tpu.memory_space<vmem>>, %arg11: memref<640xi32, #tpu.memory_space<vmem>>, %arg12: memref<640x128xf32, #tpu.memory_space<vmem>>, %arg13: memref<640x32xf32, #tpu.memory_space<vmem>>, %arg14: memref<640x32xf32, #tpu.memory_space<vmem>>, %arg15: memref<!tpu.dma_semaphore, #tpu.memory_space<semaphore_mem>>) attributes {dimension_semantics = [#tpu.dimension_semantics<core_parallel>, #tpu.dimension_semantics<subcore_parallel>], iteration_bounds = array<i64: 2, 16>, scalar_prefetch = 0 : i64, scratch_operands = 7 : i64, tpu.core_type = #tpu.core_type<sc_vector_subcore>, window_params = [{transform_indices = #map}, {transform_indices = #map}, {transform_indices = #map}, {transform_indices = #map1}, {transform_indices = #map1}, {transform_indices = #map1}, {transform_indices = #map1}]} {
    %mul3A = arith.constant 2 : i32
    %mul3A_0 = arith.muli %arg1, %mul3A : i32
    %add3A = arith.addi %mul3A_0, %arg0 : i32
    %scan3A = arith.constant 0 : i32
    %scan3A_1 = arith.constant 0 : i32
    %scan3A_2 = arith.constant 10 : i32
    %scan3A_3 = arith.addi %scan3A_1, %scan3A_2 : i32
    %scan3A_4 = arith.constant 1 : i32
    scf.for %scan3A_6 = %scan3A_1 to %scan3A_3 step %scan3A_4  : i32 {
      %mul3A_7 = arith.constant 10 : i32
      %mul3A_8 = arith.muli %add3A, %mul3A_7 : i32
      %add3A_9 = arith.addi %mul3A_8, %scan3A_6 : i32
      %mul3A_10 = arith.constant 640 : i32
      %mul3A_11 = arith.muli %add3A_9, %mul3A_10 : i32
      "tpu.region"() ({
        %run_scoped3A = tpu.sem_alloc : memref<!tpu.dma_semaphore, #tpu.memory_space<semaphore_mem>>
        %dma_start3A_250 = tpu.memref_slice %arg2[%mul3A_11] : memref<204800xi32, #tpu.memory_space<hbm>> -> memref<640xi32, #tpu.memory_space<hbm>>
        %dma_start3A_251 = tpu.memref_slice %arg2[%mul3A_11] : memref<204800xi32, #tpu.memory_space<hbm>> -> memref<640xi32, #tpu.memory_space<hbm>>
        tpu.enqueue_dma source(%dma_start3A_251 : memref<640xi32, #tpu.memory_space<hbm>>) target(%arg9 : memref<640xi32, #tpu.memory_space<vmem>>) target_semaphore(%run_scoped3A : memref<!tpu.dma_semaphore, #tpu.memory_space<semaphore_mem>>)
        %dma_wait3A_252 = tpu.memref_slice %arg2[%mul3A_11] : memref<204800xi32, #tpu.memory_space<hbm>> -> memref<640xi32, #tpu.memory_space<hbm>>
        %dma_wait3A_253 = tpu.memref_slice %arg2[%mul3A_11] : memref<204800xi32, #tpu.memory_space<hbm>> -> memref<640xi32, #tpu.memory_space<hbm>>
        tpu.wait_dma2 semaphore(%run_scoped3A : memref<!tpu.dma_semaphore, #tpu.memory_space<semaphore_mem>>) src(%dma_wait3A_253 : memref<640xi32, #tpu.memory_space<hbm>>) dst(%arg9 : memref<640xi32, #tpu.memory_space<vmem>>)
        tpu.yield
      }) : () -> ()
      "tpu.region"() ({
        %run_scoped3A = tpu.sem_alloc : memref<!tpu.dma_semaphore, #tpu.memory_space<semaphore_mem>>
        %dma_start3A_250 = tpu.memref_slice %arg3[%mul3A_11] : memref<204800xi32, #tpu.memory_space<hbm>> -> memref<640xi32, #tpu.memory_space<hbm>>
        %dma_start3A_251 = tpu.memref_slice %arg3[%mul3A_11] : memref<204800xi32, #tpu.memory_space<hbm>> -> memref<640xi32, #tpu.memory_space<hbm>>
        tpu.enqueue_dma source(%dma_start3A_251 : memref<640xi32, #tpu.memory_space<hbm>>) target(%arg10 : memref<640xi32, #tpu.memory_space<vmem>>) target_semaphore(%run_scoped3A : memref<!tpu.dma_semaphore, #tpu.memory_space<semaphore_mem>>)
        %dma_wait3A_252 = tpu.memref_slice %arg3[%mul3A_11] : memref<204800xi32, #tpu.memory_space<hbm>> -> memref<640xi32, #tpu.memory_space<hbm>>
        %dma_wait3A_253 = tpu.memref_slice %arg3[%mul3A_11] : memref<204800xi32, #tpu.memory_space<hbm>> -> memref<640xi32, #tpu.memory_space<hbm>>
        tpu.wait_dma2 semaphore(%run_scoped3A : memref<!tpu.dma_semaphore, #tpu.memory_space<semaphore_mem>>) src(%dma_wait3A_253 : memref<640xi32, #tpu.memory_space<hbm>>) dst(%arg10 : memref<640xi32, #tpu.memory_space<vmem>>)
        tpu.yield
      }) : () -> ()
      "tpu.region"() ({
        %run_scoped3A = tpu.sem_alloc : memref<!tpu.dma_semaphore, #tpu.memory_space<semaphore_mem>>
        %dma_start3A_250 = tpu.memref_slice %arg4[%mul3A_11] : memref<204800xi32, #tpu.memory_space<hbm>> -> memref<640xi32, #tpu.memory_space<hbm>>
        %dma_start3A_251 = tpu.memref_slice %arg4[%mul3A_11] : memref<204800xi32, #tpu.memory_space<hbm>> -> memref<640xi32, #tpu.memory_space<hbm>>
        tpu.enqueue_dma source(%dma_start3A_251 : memref<640xi32, #tpu.memory_space<hbm>>) target(%arg11 : memref<640xi32, #tpu.memory_space<vmem>>) target_semaphore(%run_scoped3A : memref<!tpu.dma_semaphore, #tpu.memory_space<semaphore_mem>>)
        %dma_wait3A_252 = tpu.memref_slice %arg4[%mul3A_11] : memref<204800xi32, #tpu.memory_space<hbm>> -> memref<640xi32, #tpu.memory_space<hbm>>
        %dma_wait3A_253 = tpu.memref_slice %arg4[%mul3A_11] : memref<204800xi32, #tpu.memory_space<hbm>> -> memref<640xi32, #tpu.memory_space<hbm>>
        tpu.wait_dma2 semaphore(%run_scoped3A : memref<!tpu.dma_semaphore, #tpu.memory_space<semaphore_mem>>) src(%dma_wait3A_253 : memref<640xi32, #tpu.memory_space<hbm>>) dst(%arg11 : memref<640xi32, #tpu.memory_space<vmem>>)
        tpu.yield
      }) : () -> ()
      %dma_start3A = arith.constant 0 : i32
      %dma_start3A_12 = arith.constant 0 : i32
      %dma_start3A_13 = tpu.memref_slice %arg12[%dma_start3A, %dma_start3A_12] : memref<640x128xf32, #tpu.memory_space<vmem>> -> memref<128x128xf32, #tpu.memory_space<vmem>>
      %dma_start3A_14 = arith.constant 0 : i32
      %dma_start3A_15 = tpu.memref_slice %arg9[%dma_start3A_14] : memref<640xi32, #tpu.memory_space<vmem>> -> memref<128xi32, #tpu.memory_space<vmem>>
      %dma_start3A_16 = arith.constant 0 : i32
      %dma_start3A_17 = arith.constant 0 : i32
      %dma_start3A_18 = tpu.memref_slice %arg5[%dma_start3A_16, %dma_start3A_17] : memref<1000000x128xf32, #tpu.memory_space<hbm>> -> memref<1000000x128xf32, #tpu.memory_space<hbm>>
      tpu.enqueue_indirect_dma source(%dma_start3A_18 : memref<1000000x128xf32, #tpu.memory_space<hbm>>) target(%dma_start3A_13 : memref<128x128xf32, #tpu.memory_space<vmem>>) offsets(%dma_start3A_15 : memref<128xi32, #tpu.memory_space<vmem>>) semaphore(%arg15 : memref<!tpu.dma_semaphore, #tpu.memory_space<semaphore_mem>>)
      %dma_start3A_19 = arith.constant 0 : i32
      %dma_start3A_20 = arith.constant 0 : i32
      %dma_start3A_21 = tpu.memref_slice %arg13[%dma_start3A_19, %dma_start3A_20] : memref<640x32xf32, #tpu.memory_space<vmem>> -> memref<128x32xf32, #tpu.memory_space<vmem>>
      %dma_start3A_22 = arith.constant 0 : i32
      %dma_start3A_23 = tpu.memref_slice %arg10[%dma_start3A_22] : memref<640xi32, #tpu.memory_space<vmem>> -> memref<128xi32, #tpu.memory_space<vmem>>
      %dma_start3A_24 = arith.constant 0 : i32
      %dma_start3A_25 = arith.constant 0 : i32
      %dma_start3A_26 = tpu.memref_slice %arg6[%dma_start3A_24, %dma_start3A_25] : memref<100000x32xf32, #tpu.memory_space<hbm>> -> memref<100000x32xf32, #tpu.memory_space<hbm>>
      tpu.enqueue_indirect_dma source(%dma_start3A_26 : memref<100000x32xf32, #tpu.memory_space<hbm>>) target(%dma_start3A_21 : memref<128x32xf32, #tpu.memory_space<vmem>>) offsets(%dma_start3A_23 : memref<128xi32, #tpu.memory_space<vmem>>) semaphore(%arg15 : memref<!tpu.dma_semaphore, #tpu.memory_space<semaphore_mem>>)
      %dma_start3A_27 = arith.constant 0 : i32
      %dma_start3A_28 = arith.constant 0 : i32
      %dma_start3A_29 = tpu.memref_slice %arg14[%dma_start3A_27, %dma_start3A_28] : memref<640x32xf32, #tpu.memory_space<vmem>> -> memref<128x32xf32, #tpu.memory_space<vmem>>
      %dma_start3A_30 = arith.constant 0 : i32
      %dma_start3A_31 = tpu.memref_slice %arg11[%dma_start3A_30] : memref<640xi32, #tpu.memory_space<vmem>> -> memref<128xi32, #tpu.memory_space<vmem>>
      %dma_start3A_32 = arith.constant 0 : i32
      %dma_start3A_33 = arith.constant 0 : i32
      %dma_start3A_34 = tpu.memref_slice %arg7[%dma_start3A_32, %dma_start3A_33] : memref<100000x32xf32, #tpu.memory_space<hbm>> -> memref<100000x32xf32, #tpu.memory_space<hbm>>
      tpu.enqueue_indirect_dma source(%dma_start3A_34 : memref<100000x32xf32, #tpu.memory_space<hbm>>) target(%dma_start3A_29 : memref<128x32xf32, #tpu.memory_space<vmem>>) offsets(%dma_start3A_31 : memref<128xi32, #tpu.memory_space<vmem>>) semaphore(%arg15 : memref<!tpu.dma_semaphore, #tpu.memory_space<semaphore_mem>>)
      %dma_start3A_35 = arith.constant 128 : i32
      %dma_start3A_36 = arith.constant 0 : i32
      %dma_start3A_37 = tpu.memref_slice %arg12[%dma_start3A_35, %dma_start3A_36] : memref<640x128xf32, #tpu.memory_space<vmem>> -> memref<128x128xf32, #tpu.memory_space<vmem>>
      %dma_start3A_38 = arith.constant 128 : i32
      %dma_start3A_39 = tpu.memref_slice %arg9[%dma_start3A_38] : memref<640xi32, #tpu.memory_space<vmem>> -> memref<128xi32, #tpu.memory_space<vmem>>
      %dma_start3A_40 = arith.constant 0 : i32
      %dma_start3A_41 = arith.constant 0 : i32
      %dma_start3A_42 = tpu.memref_slice %arg5[%dma_start3A_40, %dma_start3A_41] : memref<1000000x128xf32, #tpu.memory_space<hbm>> -> memref<1000000x128xf32, #tpu.memory_space<hbm>>
      tpu.enqueue_indirect_dma source(%dma_start3A_42 : memref<1000000x128xf32, #tpu.memory_space<hbm>>) target(%dma_start3A_37 : memref<128x128xf32, #tpu.memory_space<vmem>>) offsets(%dma_start3A_39 : memref<128xi32, #tpu.memory_space<vmem>>) semaphore(%arg15 : memref<!tpu.dma_semaphore, #tpu.memory_space<semaphore_mem>>)
      %dma_start3A_43 = arith.constant 128 : i32
      %dma_start3A_44 = arith.constant 0 : i32
      %dma_start3A_45 = tpu.memref_slice %arg13[%dma_start3A_43, %dma_start3A_44] : memref<640x32xf32, #tpu.memory_space<vmem>> -> memref<128x32xf32, #tpu.memory_space<vmem>>
      %dma_start3A_46 = arith.constant 128 : i32
      %dma_start3A_47 = tpu.memref_slice %arg10[%dma_start3A_46] : memref<640xi32, #tpu.memory_space<vmem>> -> memref<128xi32, #tpu.memory_space<vmem>>
      %dma_start3A_48 = arith.constant 0 : i32
      %dma_start3A_49 = arith.constant 0 : i32
      %dma_start3A_50 = tpu.memref_slice %arg6[%dma_start3A_48, %dma_start3A_49] : memref<100000x32xf32, #tpu.memory_space<hbm>> -> memref<100000x32xf32, #tpu.memory_space<hbm>>
      tpu.enqueue_indirect_dma source(%dma_start3A_50 : memref<100000x32xf32, #tpu.memory_space<hbm>>) target(%dma_start3A_45 : memref<128x32xf32, #tpu.memory_space<vmem>>) offsets(%dma_start3A_47 : memref<128xi32, #tpu.memory_space<vmem>>) semaphore(%arg15 : memref<!tpu.dma_semaphore, #tpu.memory_space<semaphore_mem>>)
      %dma_start3A_51 = arith.constant 128 : i32
      %dma_start3A_52 = arith.constant 0 : i32
      %dma_start3A_53 = tpu.memref_slice %arg14[%dma_start3A_51, %dma_start3A_52] : memref<640x32xf32, #tpu.memory_space<vmem>> -> memref<128x32xf32, #tpu.memory_space<vmem>>
      %dma_start3A_54 = arith.constant 128 : i32
      %dma_start3A_55 = tpu.memref_slice %arg11[%dma_start3A_54] : memref<640xi32, #tpu.memory_space<vmem>> -> memref<128xi32, #tpu.memory_space<vmem>>
      %dma_start3A_56 = arith.constant 0 : i32
      %dma_start3A_57 = arith.constant 0 : i32
      %dma_start3A_58 = tpu.memref_slice %arg7[%dma_start3A_56, %dma_start3A_57] : memref<100000x32xf32, #tpu.memory_space<hbm>> -> memref<100000x32xf32, #tpu.memory_space<hbm>>
      tpu.enqueue_indirect_dma source(%dma_start3A_58 : memref<100000x32xf32, #tpu.memory_space<hbm>>) target(%dma_start3A_53 : memref<128x32xf32, #tpu.memory_space<vmem>>) offsets(%dma_start3A_55 : memref<128xi32, #tpu.memory_space<vmem>>) semaphore(%arg15 : memref<!tpu.dma_semaphore, #tpu.memory_space<semaphore_mem>>)
      %dma_start3A_59 = arith.constant 256 : i32
      %dma_start3A_60 = arith.constant 0 : i32
      %dma_start3A_61 = tpu.memref_slice %arg12[%dma_start3A_59, %dma_start3A_60] : memref<640x128xf32, #tpu.memory_space<vmem>> -> memref<128x128xf32, #tpu.memory_space<vmem>>
      %dma_start3A_62 = arith.constant 256 : i32
      %dma_start3A_63 = tpu.memref_slice %arg9[%dma_start3A_62] : memref<640xi32, #tpu.memory_space<vmem>> -> memref<128xi32, #tpu.memory_space<vmem>>
      %dma_start3A_64 = arith.constant 0 : i32
      %dma_start3A_65 = arith.constant 0 : i32
      %dma_start3A_66 = tpu.memref_slice %arg5[%dma_start3A_64, %dma_start3A_65] : memref<1000000x128xf32, #tpu.memory_space<hbm>> -> memref<1000000x128xf32, #tpu.memory_space<hbm>>
      tpu.enqueue_indirect_dma source(%dma_start3A_66 : memref<1000000x128xf32, #tpu.memory_space<hbm>>) target(%dma_start3A_61 : memref<128x128xf32, #tpu.memory_space<vmem>>) offsets(%dma_start3A_63 : memref<128xi32, #tpu.memory_space<vmem>>) semaphore(%arg15 : memref<!tpu.dma_semaphore, #tpu.memory_space<semaphore_mem>>)
      %dma_start3A_67 = arith.constant 256 : i32
      %dma_start3A_68 = arith.constant 0 : i32
      %dma_start3A_69 = tpu.memref_slice %arg13[%dma_start3A_67, %dma_start3A_68] : memref<640x32xf32, #tpu.memory_space<vmem>> -> memref<128x32xf32, #tpu.memory_space<vmem>>
      %dma_start3A_70 = arith.constant 256 : i32
      %dma_start3A_71 = tpu.memref_slice %arg10[%dma_start3A_70] : memref<640xi32, #tpu.memory_space<vmem>> -> memref<128xi32, #tpu.memory_space<vmem>>
      %dma_start3A_72 = arith.constant 0 : i32
      %dma_start3A_73 = arith.constant 0 : i32
      %dma_start3A_74 = tpu.memref_slice %arg6[%dma_start3A_72, %dma_start3A_73] : memref<100000x32xf32, #tpu.memory_space<hbm>> -> memref<100000x32xf32, #tpu.memory_space<hbm>>
      tpu.enqueue_indirect_dma source(%dma_start3A_74 : memref<100000x32xf32, #tpu.memory_space<hbm>>) target(%dma_start3A_69 : memref<128x32xf32, #tpu.memory_space<vmem>>) offsets(%dma_start3A_71 : memref<128xi32, #tpu.memory_space<vmem>>) semaphore(%arg15 : memref<!tpu.dma_semaphore, #tpu.memory_space<semaphore_mem>>)
      %dma_start3A_75 = arith.constant 256 : i32
      %dma_start3A_76 = arith.constant 0 : i32
      %dma_start3A_77 = tpu.memref_slice %arg14[%dma_start3A_75, %dma_start3A_76] : memref<640x32xf32, #tpu.memory_space<vmem>> -> memref<128x32xf32, #tpu.memory_space<vmem>>
      %dma_start3A_78 = arith.constant 256 : i32
      %dma_start3A_79 = tpu.memref_slice %arg11[%dma_start3A_78] : memref<640xi32, #tpu.memory_space<vmem>> -> memref<128xi32, #tpu.memory_space<vmem>>
      %dma_start3A_80 = arith.constant 0 : i32
      %dma_start3A_81 = arith.constant 0 : i32
      %dma_start3A_82 = tpu.memref_slice %arg7[%dma_start3A_80, %dma_start3A_81] : memref<100000x32xf32, #tpu.memory_space<hbm>> -> memref<100000x32xf32, #tpu.memory_space<hbm>>
      tpu.enqueue_indirect_dma source(%dma_start3A_82 : memref<100000x32xf32, #tpu.memory_space<hbm>>) target(%dma_start3A_77 : memref<128x32xf32, #tpu.memory_space<vmem>>) offsets(%dma_start3A_79 : memref<128xi32, #tpu.memory_space<vmem>>) semaphore(%arg15 : memref<!tpu.dma_semaphore, #tpu.memory_space<semaphore_mem>>)
      %dma_start3A_83 = arith.constant 384 : i32
      %dma_start3A_84 = arith.constant 0 : i32
      %dma_start3A_85 = tpu.memref_slice %arg12[%dma_start3A_83, %dma_start3A_84] : memref<640x128xf32, #tpu.memory_space<vmem>> -> memref<128x128xf32, #tpu.memory_space<vmem>>
      %dma_start3A_86 = arith.constant 384 : i32
      %dma_start3A_87 = tpu.memref_slice %arg9[%dma_start3A_86] : memref<640xi32, #tpu.memory_space<vmem>> -> memref<128xi32, #tpu.memory_space<vmem>>
      %dma_start3A_88 = arith.constant 0 : i32
      %dma_start3A_89 = arith.constant 0 : i32
      %dma_start3A_90 = tpu.memref_slice %arg5[%dma_start3A_88, %dma_start3A_89] : memref<1000000x128xf32, #tpu.memory_space<hbm>> -> memref<1000000x128xf32, #tpu.memory_space<hbm>>
      tpu.enqueue_indirect_dma source(%dma_start3A_90 : memref<1000000x128xf32, #tpu.memory_space<hbm>>) target(%dma_start3A_85 : memref<128x128xf32, #tpu.memory_space<vmem>>) offsets(%dma_start3A_87 : memref<128xi32, #tpu.memory_space<vmem>>) semaphore(%arg15 : memref<!tpu.dma_semaphore, #tpu.memory_space<semaphore_mem>>)
      %dma_start3A_91 = arith.constant 384 : i32
      %dma_start3A_92 = arith.constant 0 : i32
      %dma_start3A_93 = tpu.memref_slice %arg13[%dma_start3A_91, %dma_start3A_92] : memref<640x32xf32, #tpu.memory_space<vmem>> -> memref<128x32xf32, #tpu.memory_space<vmem>>
      %dma_start3A_94 = arith.constant 384 : i32
      %dma_start3A_95 = tpu.memref_slice %arg10[%dma_start3A_94] : memref<640xi32, #tpu.memory_space<vmem>> -> memref<128xi32, #tpu.memory_space<vmem>>
      %dma_start3A_96 = arith.constant 0 : i32
      %dma_start3A_97 = arith.constant 0 : i32
      %dma_start3A_98 = tpu.memref_slice %arg6[%dma_start3A_96, %dma_start3A_97] : memref<100000x32xf32, #tpu.memory_space<hbm>> -> memref<100000x32xf32, #tpu.memory_space<hbm>>
      tpu.enqueue_indirect_dma source(%dma_start3A_98 : memref<100000x32xf32, #tpu.memory_space<hbm>>) target(%dma_start3A_93 : memref<128x32xf32, #tpu.memory_space<vmem>>) offsets(%dma_start3A_95 : memref<128xi32, #tpu.memory_space<vmem>>) semaphore(%arg15 : memref<!tpu.dma_semaphore, #tpu.memory_space<semaphore_mem>>)
      %dma_start3A_99 = arith.constant 384 : i32
      %dma_start3A_100 = arith.constant 0 : i32
      %dma_start3A_101 = tpu.memref_slice %arg14[%dma_start3A_99, %dma_start3A_100] : memref<640x32xf32, #tpu.memory_space<vmem>> -> memref<128x32xf32, #tpu.memory_space<vmem>>
      %dma_start3A_102 = arith.constant 384 : i32
      %dma_start3A_103 = tpu.memref_slice %arg11[%dma_start3A_102] : memref<640xi32, #tpu.memory_space<vmem>> -> memref<128xi32, #tpu.memory_space<vmem>>
      %dma_start3A_104 = arith.constant 0 : i32
      %dma_start3A_105 = arith.constant 0 : i32
      %dma_start3A_106 = tpu.memref_slice %arg7[%dma_start3A_104, %dma_start3A_105] : memref<100000x32xf32, #tpu.memory_space<hbm>> -> memref<100000x32xf32, #tpu.memory_space<hbm>>
      tpu.enqueue_indirect_dma source(%dma_start3A_106 : memref<100000x32xf32, #tpu.memory_space<hbm>>) target(%dma_start3A_101 : memref<128x32xf32, #tpu.memory_space<vmem>>) offsets(%dma_start3A_103 : memref<128xi32, #tpu.memory_space<vmem>>) semaphore(%arg15 : memref<!tpu.dma_semaphore, #tpu.memory_space<semaphore_mem>>)
      %dma_start3A_107 = arith.constant 512 : i32
      %dma_start3A_108 = arith.constant 0 : i32
      %dma_start3A_109 = tpu.memref_slice %arg12[%dma_start3A_107, %dma_start3A_108] : memref<640x128xf32, #tpu.memory_space<vmem>> -> memref<128x128xf32, #tpu.memory_space<vmem>>
      %dma_start3A_110 = arith.constant 512 : i32
      %dma_start3A_111 = tpu.memref_slice %arg9[%dma_start3A_110] : memref<640xi32, #tpu.memory_space<vmem>> -> memref<128xi32, #tpu.memory_space<vmem>>
      %dma_start3A_112 = arith.constant 0 : i32
      %dma_start3A_113 = arith.constant 0 : i32
      %dma_start3A_114 = tpu.memref_slice %arg5[%dma_start3A_112, %dma_start3A_113] : memref<1000000x128xf32, #tpu.memory_space<hbm>> -> memref<1000000x128xf32, #tpu.memory_space<hbm>>
      tpu.enqueue_indirect_dma source(%dma_start3A_114 : memref<1000000x128xf32, #tpu.memory_space<hbm>>) target(%dma_start3A_109 : memref<128x128xf32, #tpu.memory_space<vmem>>) offsets(%dma_start3A_111 : memref<128xi32, #tpu.memory_space<vmem>>) semaphore(%arg15 : memref<!tpu.dma_semaphore, #tpu.memory_space<semaphore_mem>>)
      %dma_start3A_115 = arith.constant 512 : i32
      %dma_start3A_116 = arith.constant 0 : i32
      %dma_start3A_117 = tpu.memref_slice %arg13[%dma_start3A_115, %dma_start3A_116] : memref<640x32xf32, #tpu.memory_space<vmem>> -> memref<128x32xf32, #tpu.memory_space<vmem>>
      %dma_start3A_118 = arith.constant 512 : i32
      %dma_start3A_119 = tpu.memref_slice %arg10[%dma_start3A_118] : memref<640xi32, #tpu.memory_space<vmem>> -> memref<128xi32, #tpu.memory_space<vmem>>
      %dma_start3A_120 = arith.constant 0 : i32
      %dma_start3A_121 = arith.constant 0 : i32
      %dma_start3A_122 = tpu.memref_slice %arg6[%dma_start3A_120, %dma_start3A_121] : memref<100000x32xf32, #tpu.memory_space<hbm>> -> memref<100000x32xf32, #tpu.memory_space<hbm>>
      tpu.enqueue_indirect_dma source(%dma_start3A_122 : memref<100000x32xf32, #tpu.memory_space<hbm>>) target(%dma_start3A_117 : memref<128x32xf32, #tpu.memory_space<vmem>>) offsets(%dma_start3A_119 : memref<128xi32, #tpu.memory_space<vmem>>) semaphore(%arg15 : memref<!tpu.dma_semaphore, #tpu.memory_space<semaphore_mem>>)
      %dma_start3A_123 = arith.constant 512 : i32
      %dma_start3A_124 = arith.constant 0 : i32
      %dma_start3A_125 = tpu.memref_slice %arg14[%dma_start3A_123, %dma_start3A_124] : memref<640x32xf32, #tpu.memory_space<vmem>> -> memref<128x32xf32, #tpu.memory_space<vmem>>
      %dma_start3A_126 = arith.constant 512 : i32
      %dma_start3A_127 = tpu.memref_slice %arg11[%dma_start3A_126] : memref<640xi32, #tpu.memory_space<vmem>> -> memref<128xi32, #tpu.memory_space<vmem>>
      %dma_start3A_128 = arith.constant 0 : i32
      %dma_start3A_129 = arith.constant 0 : i32
      %dma_start3A_130 = tpu.memref_slice %arg7[%dma_start3A_128, %dma_start3A_129] : memref<100000x32xf32, #tpu.memory_space<hbm>> -> memref<100000x32xf32, #tpu.memory_space<hbm>>
      tpu.enqueue_indirect_dma source(%dma_start3A_130 : memref<100000x32xf32, #tpu.memory_space<hbm>>) target(%dma_start3A_125 : memref<128x32xf32, #tpu.memory_space<vmem>>) offsets(%dma_start3A_127 : memref<128xi32, #tpu.memory_space<vmem>>) semaphore(%arg15 : memref<!tpu.dma_semaphore, #tpu.memory_space<semaphore_mem>>)
      %dma_wait3A = arith.constant 0 : i32
      %dma_wait3A_131 = arith.constant 0 : i32
      %dma_wait3A_132 = tpu.memref_slice %arg12[%dma_wait3A, %dma_wait3A_131] : memref<640x128xf32, #tpu.memory_space<vmem>> -> memref<128x128xf32, #tpu.memory_space<vmem>>
      %dma_wait3A_133 = arith.constant 0 : i32
      %dma_wait3A_134 = tpu.memref_slice %arg9[%dma_wait3A_133] : memref<640xi32, #tpu.memory_space<vmem>> -> memref<128xi32, #tpu.memory_space<vmem>>
      %dma_wait3A_135 = arith.constant 0 : i32
      %dma_wait3A_136 = arith.constant 0 : i32
      %dma_wait3A_137 = tpu.memref_slice %arg5[%dma_wait3A_135, %dma_wait3A_136] : memref<1000000x128xf32, #tpu.memory_space<hbm>> -> memref<1000000x128xf32, #tpu.memory_space<hbm>>
      tpu.wait_indirect_dma semaphore(%arg15 : memref<!tpu.dma_semaphore, #tpu.memory_space<semaphore_mem>>) src(%dma_wait3A_137 : memref<1000000x128xf32, #tpu.memory_space<hbm>>) dst(%dma_wait3A_132 : memref<128x128xf32, #tpu.memory_space<vmem>>)
      %dma_wait3A_138 = arith.constant 0 : i32
      %dma_wait3A_139 = arith.constant 0 : i32
      %dma_wait3A_140 = tpu.memref_slice %arg13[%dma_wait3A_138, %dma_wait3A_139] : memref<640x32xf32, #tpu.memory_space<vmem>> -> memref<128x32xf32, #tpu.memory_space<vmem>>
      %dma_wait3A_141 = arith.constant 0 : i32
      %dma_wait3A_142 = tpu.memref_slice %arg10[%dma_wait3A_141] : memref<640xi32, #tpu.memory_space<vmem>> -> memref<128xi32, #tpu.memory_space<vmem>>
      %dma_wait3A_143 = arith.constant 0 : i32
      %dma_wait3A_144 = arith.constant 0 : i32
      %dma_wait3A_145 = tpu.memref_slice %arg6[%dma_wait3A_143, %dma_wait3A_144] : memref<100000x32xf32, #tpu.memory_space<hbm>> -> memref<100000x32xf32, #tpu.memory_space<hbm>>
      tpu.wait_indirect_dma semaphore(%arg15 : memref<!tpu.dma_semaphore, #tpu.memory_space<semaphore_mem>>) src(%dma_wait3A_145 : memref<100000x32xf32, #tpu.memory_space<hbm>>) dst(%dma_wait3A_140 : memref<128x32xf32, #tpu.memory_space<vmem>>)
      %dma_wait3A_146 = arith.constant 0 : i32
      %dma_wait3A_147 = arith.constant 0 : i32
      %dma_wait3A_148 = tpu.memref_slice %arg14[%dma_wait3A_146, %dma_wait3A_147] : memref<640x32xf32, #tpu.memory_space<vmem>> -> memref<128x32xf32, #tpu.memory_space<vmem>>
      %dma_wait3A_149 = arith.constant 0 : i32
      %dma_wait3A_150 = tpu.memref_slice %arg11[%dma_wait3A_149] : memref<640xi32, #tpu.memory_space<vmem>> -> memref<128xi32, #tpu.memory_space<vmem>>
      %dma_wait3A_151 = arith.constant 0 : i32
      %dma_wait3A_152 = arith.constant 0 : i32
      %dma_wait3A_153 = tpu.memref_slice %arg7[%dma_wait3A_151, %dma_wait3A_152] : memref<100000x32xf32, #tpu.memory_space<hbm>> -> memref<100000x32xf32, #tpu.memory_space<hbm>>
      tpu.wait_indirect_dma semaphore(%arg15 : memref<!tpu.dma_semaphore, #tpu.memory_space<semaphore_mem>>) src(%dma_wait3A_153 : memref<100000x32xf32, #tpu.memory_space<hbm>>) dst(%dma_wait3A_148 : memref<128x32xf32, #tpu.memory_space<vmem>>)
      %dma_wait3A_154 = arith.constant 128 : i32
      %dma_wait3A_155 = arith.constant 0 : i32
      %dma_wait3A_156 = tpu.memref_slice %arg12[%dma_wait3A_154, %dma_wait3A_155] : memref<640x128xf32, #tpu.memory_space<vmem>> -> memref<128x128xf32, #tpu.memory_space<vmem>>
      %dma_wait3A_157 = arith.constant 128 : i32
      %dma_wait3A_158 = tpu.memref_slice %arg9[%dma_wait3A_157] : memref<640xi32, #tpu.memory_space<vmem>> -> memref<128xi32, #tpu.memory_space<vmem>>
      %dma_wait3A_159 = arith.constant 0 : i32
      %dma_wait3A_160 = arith.constant 0 : i32
      %dma_wait3A_161 = tpu.memref_slice %arg5[%dma_wait3A_159, %dma_wait3A_160] : memref<1000000x128xf32, #tpu.memory_space<hbm>> -> memref<1000000x128xf32, #tpu.memory_space<hbm>>
      tpu.wait_indirect_dma semaphore(%arg15 : memref<!tpu.dma_semaphore, #tpu.memory_space<semaphore_mem>>) src(%dma_wait3A_161 : memref<1000000x128xf32, #tpu.memory_space<hbm>>) dst(%dma_wait3A_156 : memref<128x128xf32, #tpu.memory_space<vmem>>)
      %dma_wait3A_162 = arith.constant 128 : i32
      %dma_wait3A_163 = arith.constant 0 : i32
      %dma_wait3A_164 = tpu.memref_slice %arg13[%dma_wait3A_162, %dma_wait3A_163] : memref<640x32xf32, #tpu.memory_space<vmem>> -> memref<128x32xf32, #tpu.memory_space<vmem>>
      %dma_wait3A_165 = arith.constant 128 : i32
      %dma_wait3A_166 = tpu.memref_slice %arg10[%dma_wait3A_165] : memref<640xi32, #tpu.memory_space<vmem>> -> memref<128xi32, #tpu.memory_space<vmem>>
      %dma_wait3A_167 = arith.constant 0 : i32
      %dma_wait3A_168 = arith.constant 0 : i32
      %dma_wait3A_169 = tpu.memref_slice %arg6[%dma_wait3A_167, %dma_wait3A_168] : memref<100000x32xf32, #tpu.memory_space<hbm>> -> memref<100000x32xf32, #tpu.memory_space<hbm>>
      tpu.wait_indirect_dma semaphore(%arg15 : memref<!tpu.dma_semaphore, #tpu.memory_space<semaphore_mem>>) src(%dma_wait3A_169 : memref<100000x32xf32, #tpu.memory_space<hbm>>) dst(%dma_wait3A_164 : memref<128x32xf32, #tpu.memory_space<vmem>>)
      %dma_wait3A_170 = arith.constant 128 : i32
      %dma_wait3A_171 = arith.constant 0 : i32
      %dma_wait3A_172 = tpu.memref_slice %arg14[%dma_wait3A_170, %dma_wait3A_171] : memref<640x32xf32, #tpu.memory_space<vmem>> -> memref<128x32xf32, #tpu.memory_space<vmem>>
      %dma_wait3A_173 = arith.constant 128 : i32
      %dma_wait3A_174 = tpu.memref_slice %arg11[%dma_wait3A_173] : memref<640xi32, #tpu.memory_space<vmem>> -> memref<128xi32, #tpu.memory_space<vmem>>
      %dma_wait3A_175 = arith.constant 0 : i32
      %dma_wait3A_176 = arith.constant 0 : i32
      %dma_wait3A_177 = tpu.memref_slice %arg7[%dma_wait3A_175, %dma_wait3A_176] : memref<100000x32xf32, #tpu.memory_space<hbm>> -> memref<100000x32xf32, #tpu.memory_space<hbm>>
      tpu.wait_indirect_dma semaphore(%arg15 : memref<!tpu.dma_semaphore, #tpu.memory_space<semaphore_mem>>) src(%dma_wait3A_177 : memref<100000x32xf32, #tpu.memory_space<hbm>>) dst(%dma_wait3A_172 : memref<128x32xf32, #tpu.memory_space<vmem>>)
      %dma_wait3A_178 = arith.constant 256 : i32
      %dma_wait3A_179 = arith.constant 0 : i32
      %dma_wait3A_180 = tpu.memref_slice %arg12[%dma_wait3A_178, %dma_wait3A_179] : memref<640x128xf32, #tpu.memory_space<vmem>> -> memref<128x128xf32, #tpu.memory_space<vmem>>
      %dma_wait3A_181 = arith.constant 256 : i32
      %dma_wait3A_182 = tpu.memref_slice %arg9[%dma_wait3A_181] : memref<640xi32, #tpu.memory_space<vmem>> -> memref<128xi32, #tpu.memory_space<vmem>>
      %dma_wait3A_183 = arith.constant 0 : i32
      %dma_wait3A_184 = arith.constant 0 : i32
      %dma_wait3A_185 = tpu.memref_slice %arg5[%dma_wait3A_183, %dma_wait3A_184] : memref<1000000x128xf32, #tpu.memory_space<hbm>> -> memref<1000000x128xf32, #tpu.memory_space<hbm>>
      tpu.wait_indirect_dma semaphore(%arg15 : memref<!tpu.dma_semaphore, #tpu.memory_space<semaphore_mem>>) src(%dma_wait3A_185 : memref<1000000x128xf32, #tpu.memory_space<hbm>>) dst(%dma_wait3A_180 : memref<128x128xf32, #tpu.memory_space<vmem>>)
      %dma_wait3A_186 = arith.constant 256 : i32
      %dma_wait3A_187 = arith.constant 0 : i32
      %dma_wait3A_188 = tpu.memref_slice %arg13[%dma_wait3A_186, %dma_wait3A_187] : memref<640x32xf32, #tpu.memory_space<vmem>> -> memref<128x32xf32, #tpu.memory_space<vmem>>
      %dma_wait3A_189 = arith.constant 256 : i32
      %dma_wait3A_190 = tpu.memref_slice %arg10[%dma_wait3A_189] : memref<640xi32, #tpu.memory_space<vmem>> -> memref<128xi32, #tpu.memory_space<vmem>>
      %dma_wait3A_191 = arith.constant 0 : i32
      %dma_wait3A_192 = arith.constant 0 : i32
      %dma_wait3A_193 = tpu.memref_slice %arg6[%dma_wait3A_191, %dma_wait3A_192] : memref<100000x32xf32, #tpu.memory_space<hbm>> -> memref<100000x32xf32, #tpu.memory_space<hbm>>
      tpu.wait_indirect_dma semaphore(%arg15 : memref<!tpu.dma_semaphore, #tpu.memory_space<semaphore_mem>>) src(%dma_wait3A_193 : memref<100000x32xf32, #tpu.memory_space<hbm>>) dst(%dma_wait3A_188 : memref<128x32xf32, #tpu.memory_space<vmem>>)
      %dma_wait3A_194 = arith.constant 256 : i32
      %dma_wait3A_195 = arith.constant 0 : i32
      %dma_wait3A_196 = tpu.memref_slice %arg14[%dma_wait3A_194, %dma_wait3A_195] : memref<640x32xf32, #tpu.memory_space<vmem>> -> memref<128x32xf32, #tpu.memory_space<vmem>>
      %dma_wait3A_197 = arith.constant 256 : i32
      %dma_wait3A_198 = tpu.memref_slice %arg11[%dma_wait3A_197] : memref<640xi32, #tpu.memory_space<vmem>> -> memref<128xi32, #tpu.memory_space<vmem>>
      %dma_wait3A_199 = arith.constant 0 : i32
      %dma_wait3A_200 = arith.constant 0 : i32
      %dma_wait3A_201 = tpu.memref_slice %arg7[%dma_wait3A_199, %dma_wait3A_200] : memref<100000x32xf32, #tpu.memory_space<hbm>> -> memref<100000x32xf32, #tpu.memory_space<hbm>>
      tpu.wait_indirect_dma semaphore(%arg15 : memref<!tpu.dma_semaphore, #tpu.memory_space<semaphore_mem>>) src(%dma_wait3A_201 : memref<100000x32xf32, #tpu.memory_space<hbm>>) dst(%dma_wait3A_196 : memref<128x32xf32, #tpu.memory_space<vmem>>)
      %dma_wait3A_202 = arith.constant 384 : i32
      %dma_wait3A_203 = arith.constant 0 : i32
      %dma_wait3A_204 = tpu.memref_slice %arg12[%dma_wait3A_202, %dma_wait3A_203] : memref<640x128xf32, #tpu.memory_space<vmem>> -> memref<128x128xf32, #tpu.memory_space<vmem>>
      %dma_wait3A_205 = arith.constant 384 : i32
      %dma_wait3A_206 = tpu.memref_slice %arg9[%dma_wait3A_205] : memref<640xi32, #tpu.memory_space<vmem>> -> memref<128xi32, #tpu.memory_space<vmem>>
      %dma_wait3A_207 = arith.constant 0 : i32
      %dma_wait3A_208 = arith.constant 0 : i32
      %dma_wait3A_209 = tpu.memref_slice %arg5[%dma_wait3A_207, %dma_wait3A_208] : memref<1000000x128xf32, #tpu.memory_space<hbm>> -> memref<1000000x128xf32, #tpu.memory_space<hbm>>
      tpu.wait_indirect_dma semaphore(%arg15 : memref<!tpu.dma_semaphore, #tpu.memory_space<semaphore_mem>>) src(%dma_wait3A_209 : memref<1000000x128xf32, #tpu.memory_space<hbm>>) dst(%dma_wait3A_204 : memref<128x128xf32, #tpu.memory_space<vmem>>)
      %dma_wait3A_210 = arith.constant 384 : i32
      %dma_wait3A_211 = arith.constant 0 : i32
      %dma_wait3A_212 = tpu.memref_slice %arg13[%dma_wait3A_210, %dma_wait3A_211] : memref<640x32xf32, #tpu.memory_space<vmem>> -> memref<128x32xf32, #tpu.memory_space<vmem>>
      %dma_wait3A_213 = arith.constant 384 : i32
      %dma_wait3A_214 = tpu.memref_slice %arg10[%dma_wait3A_213] : memref<640xi32, #tpu.memory_space<vmem>> -> memref<128xi32, #tpu.memory_space<vmem>>
      %dma_wait3A_215 = arith.constant 0 : i32
      %dma_wait3A_216 = arith.constant 0 : i32
      %dma_wait3A_217 = tpu.memref_slice %arg6[%dma_wait3A_215, %dma_wait3A_216] : memref<100000x32xf32, #tpu.memory_space<hbm>> -> memref<100000x32xf32, #tpu.memory_space<hbm>>
      tpu.wait_indirect_dma semaphore(%arg15 : memref<!tpu.dma_semaphore, #tpu.memory_space<semaphore_mem>>) src(%dma_wait3A_217 : memref<100000x32xf32, #tpu.memory_space<hbm>>) dst(%dma_wait3A_212 : memref<128x32xf32, #tpu.memory_space<vmem>>)
      %dma_wait3A_218 = arith.constant 384 : i32
      %dma_wait3A_219 = arith.constant 0 : i32
      %dma_wait3A_220 = tpu.memref_slice %arg14[%dma_wait3A_218, %dma_wait3A_219] : memref<640x32xf32, #tpu.memory_space<vmem>> -> memref<128x32xf32, #tpu.memory_space<vmem>>
      %dma_wait3A_221 = arith.constant 384 : i32
      %dma_wait3A_222 = tpu.memref_slice %arg11[%dma_wait3A_221] : memref<640xi32, #tpu.memory_space<vmem>> -> memref<128xi32, #tpu.memory_space<vmem>>
      %dma_wait3A_223 = arith.constant 0 : i32
      %dma_wait3A_224 = arith.constant 0 : i32
      %dma_wait3A_225 = tpu.memref_slice %arg7[%dma_wait3A_223, %dma_wait3A_224] : memref<100000x32xf32, #tpu.memory_space<hbm>> -> memref<100000x32xf32, #tpu.memory_space<hbm>>
      tpu.wait_indirect_dma semaphore(%arg15 : memref<!tpu.dma_semaphore, #tpu.memory_space<semaphore_mem>>) src(%dma_wait3A_225 : memref<100000x32xf32, #tpu.memory_space<hbm>>) dst(%dma_wait3A_220 : memref<128x32xf32, #tpu.memory_space<vmem>>)
      %dma_wait3A_226 = arith.constant 512 : i32
      %dma_wait3A_227 = arith.constant 0 : i32
      %dma_wait3A_228 = tpu.memref_slice %arg12[%dma_wait3A_226, %dma_wait3A_227] : memref<640x128xf32, #tpu.memory_space<vmem>> -> memref<128x128xf32, #tpu.memory_space<vmem>>
      %dma_wait3A_229 = arith.constant 512 : i32
      %dma_wait3A_230 = tpu.memref_slice %arg9[%dma_wait3A_229] : memref<640xi32, #tpu.memory_space<vmem>> -> memref<128xi32, #tpu.memory_space<vmem>>
      %dma_wait3A_231 = arith.constant 0 : i32
      %dma_wait3A_232 = arith.constant 0 : i32
      %dma_wait3A_233 = tpu.memref_slice %arg5[%dma_wait3A_231, %dma_wait3A_232] : memref<1000000x128xf32, #tpu.memory_space<hbm>> -> memref<1000000x128xf32, #tpu.memory_space<hbm>>
      tpu.wait_indirect_dma semaphore(%arg15 : memref<!tpu.dma_semaphore, #tpu.memory_space<semaphore_mem>>) src(%dma_wait3A_233 : memref<1000000x128xf32, #tpu.memory_space<hbm>>) dst(%dma_wait3A_228 : memref<128x128xf32, #tpu.memory_space<vmem>>)
      %dma_wait3A_234 = arith.constant 512 : i32
      %dma_wait3A_235 = arith.constant 0 : i32
      %dma_wait3A_236 = tpu.memref_slice %arg13[%dma_wait3A_234, %dma_wait3A_235] : memref<640x32xf32, #tpu.memory_space<vmem>> -> memref<128x32xf32, #tpu.memory_space<vmem>>
      %dma_wait3A_237 = arith.constant 512 : i32
      %dma_wait3A_238 = tpu.memref_slice %arg10[%dma_wait3A_237] : memref<640xi32, #tpu.memory_space<vmem>> -> memref<128xi32, #tpu.memory_space<vmem>>
      %dma_wait3A_239 = arith.constant 0 : i32
      %dma_wait3A_240 = arith.constant 0 : i32
      %dma_wait3A_241 = tpu.memref_slice %arg6[%dma_wait3A_239, %dma_wait3A_240] : memref<100000x32xf32, #tpu.memory_space<hbm>> -> memref<100000x32xf32, #tpu.memory_space<hbm>>
      tpu.wait_indirect_dma semaphore(%arg15 : memref<!tpu.dma_semaphore, #tpu.memory_space<semaphore_mem>>) src(%dma_wait3A_241 : memref<100000x32xf32, #tpu.memory_space<hbm>>) dst(%dma_wait3A_236 : memref<128x32xf32, #tpu.memory_space<vmem>>)
      %dma_wait3A_242 = arith.constant 512 : i32
      %dma_wait3A_243 = arith.constant 0 : i32
      %dma_wait3A_244 = tpu.memref_slice %arg14[%dma_wait3A_242, %dma_wait3A_243] : memref<640x32xf32, #tpu.memory_space<vmem>> -> memref<128x32xf32, #tpu.memory_space<vmem>>
      %dma_wait3A_245 = arith.constant 512 : i32
      %dma_wait3A_246 = tpu.memref_slice %arg11[%dma_wait3A_245] : memref<640xi32, #tpu.memory_space<vmem>> -> memref<128xi32, #tpu.memory_space<vmem>>
      %dma_wait3A_247 = arith.constant 0 : i32
      %dma_wait3A_248 = arith.constant 0 : i32
      %dma_wait3A_249 = tpu.memref_slice %arg7[%dma_wait3A_247, %dma_wait3A_248] : memref<100000x32xf32, #tpu.memory_space<hbm>> -> memref<100000x32xf32, #tpu.memory_space<hbm>>
      tpu.wait_indirect_dma semaphore(%arg15 : memref<!tpu.dma_semaphore, #tpu.memory_space<semaphore_mem>>) src(%dma_wait3A_249 : memref<100000x32xf32, #tpu.memory_space<hbm>>) dst(%dma_wait3A_244 : memref<128x32xf32, #tpu.memory_space<vmem>>)
      "tpu.region"() ({
        %run_scoped3A = tpu.sem_alloc : memref<!tpu.dma_semaphore, #tpu.memory_space<semaphore_mem>>
        %dma_start3A_250 = arith.constant 0 : i32
        %dma_start3A_251 = arith.constant 0 : i32
        %dma_start3A_252 = tpu.memref_slice %arg12[%dma_start3A_250, %dma_start3A_251] : memref<640x128xf32, #tpu.memory_space<vmem>> -> memref<640x64xf32, #tpu.memory_space<vmem>>
        %dma_start3A_253 = arith.constant 0 : i32
        %dma_start3A_254 = tpu.memref_slice %arg8[%mul3A_11, %dma_start3A_253] : memref<204800x128xf32, #tpu.memory_space<hbm>> -> memref<640x64xf32, #tpu.memory_space<hbm>>
        %dma_start3A_255 = arith.constant 0 : i32
        %dma_start3A_256 = tpu.memref_slice %arg8[%mul3A_11, %dma_start3A_255] : memref<204800x128xf32, #tpu.memory_space<hbm>> -> memref<640x64xf32, #tpu.memory_space<hbm>>
        %dma_start3A_257 = arith.constant 0 : i32
        %dma_start3A_258 = arith.constant 0 : i32
        %dma_start3A_259 = tpu.memref_slice %arg12[%dma_start3A_257, %dma_start3A_258] : memref<640x128xf32, #tpu.memory_space<vmem>> -> memref<640x64xf32, #tpu.memory_space<vmem>>
        tpu.enqueue_dma source(%dma_start3A_259 : memref<640x64xf32, #tpu.memory_space<vmem>>) target(%dma_start3A_256 : memref<640x64xf32, #tpu.memory_space<hbm>>) target_semaphore(%run_scoped3A : memref<!tpu.dma_semaphore, #tpu.memory_space<semaphore_mem>>)
        %dma_wait3A_260 = arith.constant 0 : i32
        %dma_wait3A_261 = arith.constant 0 : i32
        %dma_wait3A_262 = tpu.memref_slice %arg12[%dma_wait3A_260, %dma_wait3A_261] : memref<640x128xf32, #tpu.memory_space<vmem>> -> memref<640x64xf32, #tpu.memory_space<vmem>>
        %dma_wait3A_263 = arith.constant 0 : i32
        %dma_wait3A_264 = tpu.memref_slice %arg8[%mul3A_11, %dma_wait3A_263] : memref<204800x128xf32, #tpu.memory_space<hbm>> -> memref<640x64xf32, #tpu.memory_space<hbm>>
        %dma_wait3A_265 = arith.constant 0 : i32
        %dma_wait3A_266 = tpu.memref_slice %arg8[%mul3A_11, %dma_wait3A_265] : memref<204800x128xf32, #tpu.memory_space<hbm>> -> memref<640x64xf32, #tpu.memory_space<hbm>>
        %dma_wait3A_267 = arith.constant 0 : i32
        %dma_wait3A_268 = arith.constant 0 : i32
        %dma_wait3A_269 = tpu.memref_slice %arg12[%dma_wait3A_267, %dma_wait3A_268] : memref<640x128xf32, #tpu.memory_space<vmem>> -> memref<640x64xf32, #tpu.memory_space<vmem>>
        tpu.wait_dma2 semaphore(%run_scoped3A : memref<!tpu.dma_semaphore, #tpu.memory_space<semaphore_mem>>) src(%dma_wait3A_269 : memref<640x64xf32, #tpu.memory_space<vmem>>) dst(%dma_wait3A_266 : memref<640x64xf32, #tpu.memory_space<hbm>>)
        tpu.yield
      }) : () -> ()
      "tpu.region"() ({
        %run_scoped3A = tpu.sem_alloc : memref<!tpu.dma_semaphore, #tpu.memory_space<semaphore_mem>>
        %dma_start3A_250 = arith.constant 64 : i32
        %dma_start3A_251 = tpu.memref_slice %arg8[%mul3A_11, %dma_start3A_250] : memref<204800x128xf32, #tpu.memory_space<hbm>> -> memref<640x32xf32, #tpu.memory_space<hbm>>
        %dma_start3A_252 = arith.constant 64 : i32
        %dma_start3A_253 = tpu.memref_slice %arg8[%mul3A_11, %dma_start3A_252] : memref<204800x128xf32, #tpu.memory_space<hbm>> -> memref<640x32xf32, #tpu.memory_space<hbm>>
        tpu.enqueue_dma source(%arg13 : memref<640x32xf32, #tpu.memory_space<vmem>>) target(%dma_start3A_253 : memref<640x32xf32, #tpu.memory_space<hbm>>) target_semaphore(%run_scoped3A : memref<!tpu.dma_semaphore, #tpu.memory_space<semaphore_mem>>)
        %dma_wait3A_254 = arith.constant 64 : i32
        %dma_wait3A_255 = tpu.memref_slice %arg8[%mul3A_11, %dma_wait3A_254] : memref<204800x128xf32, #tpu.memory_space<hbm>> -> memref<640x32xf32, #tpu.memory_space<hbm>>
        %dma_wait3A_256 = arith.constant 64 : i32
        %dma_wait3A_257 = tpu.memref_slice %arg8[%mul3A_11, %dma_wait3A_256] : memref<204800x128xf32, #tpu.memory_space<hbm>> -> memref<640x32xf32, #tpu.memory_space<hbm>>
        tpu.wait_dma2 semaphore(%run_scoped3A : memref<!tpu.dma_semaphore, #tpu.memory_space<semaphore_mem>>) src(%arg13 : memref<640x32xf32, #tpu.memory_space<vmem>>) dst(%dma_wait3A_257 : memref<640x32xf32, #tpu.memory_space<hbm>>)
        tpu.yield
      }) : () -> ()
      "tpu.region"() ({
        %run_scoped3A = tpu.sem_alloc : memref<!tpu.dma_semaphore, #tpu.memory_space<semaphore_mem>>
        %dma_start3A_250 = arith.constant 96 : i32
        %dma_start3A_251 = tpu.memref_slice %arg8[%mul3A_11, %dma_start3A_250] : memref<204800x128xf32, #tpu.memory_space<hbm>> -> memref<640x32xf32, #tpu.memory_space<hbm>>
        %dma_start3A_252 = arith.constant 96 : i32
        %dma_start3A_253 = tpu.memref_slice %arg8[%mul3A_11, %dma_start3A_252] : memref<204800x128xf32, #tpu.memory_space<hbm>> -> memref<640x32xf32, #tpu.memory_space<hbm>>
        tpu.enqueue_dma source(%arg14 : memref<640x32xf32, #tpu.memory_space<vmem>>) target(%dma_start3A_253 : memref<640x32xf32, #tpu.memory_space<hbm>>) target_semaphore(%run_scoped3A : memref<!tpu.dma_semaphore, #tpu.memory_space<semaphore_mem>>)
        %dma_wait3A_254 = arith.constant 96 : i32
        %dma_wait3A_255 = tpu.memref_slice %arg8[%mul3A_11, %dma_wait3A_254] : memref<204800x128xf32, #tpu.memory_space<hbm>> -> memref<640x32xf32, #tpu.memory_space<hbm>>
        %dma_wait3A_256 = arith.constant 96 : i32
        %dma_wait3A_257 = tpu.memref_slice %arg8[%mul3A_11, %dma_wait3A_256] : memref<204800x128xf32, #tpu.memory_space<hbm>> -> memref<640x32xf32, #tpu.memory_space<hbm>>
        tpu.wait_dma2 semaphore(%run_scoped3A : memref<!tpu.dma_semaphore, #tpu.memory_space<semaphore_mem>>) src(%arg14 : memref<640x32xf32, #tpu.memory_space<vmem>>) dst(%dma_wait3A_257 : memref<640x32xf32, #tpu.memory_space<hbm>>)
        tpu.yield
      }) : () -> ()
    }
    %scan3A_5 = arith.constant 10 : i32
    return
  }
}

module attributes {stable_mosaic.version = 14 : i64} {
  func.func @body(%arg0: i32, %arg1: memref<64x16384xf32, #tpu.memory_space<vmem>>, %arg2: memref<16384x128xf32, #tpu.memory_space<vmem>>) attributes {dimension_semantics = [#tpu.dimension_semantics<arbitrary>], iteration_bounds = array<i64: 62>, scalar_prefetch = 0 : i64, scratch_operands = 0 : i64, tpu.core_type = #tpu.core_type<tc>, window_params = [{transform_indices = @transform_0, window_bounds = array<i64: 64, 16384>}, {transform_indices = @transform_1, window_bounds = array<i64: 16384, 128>}]} {
    %get3A = arith.constant 0 : index
    %get3A_0 = arith.constant 0 : index
    %get3A_1 = vector.load %arg1[%get3A, %get3A_0] : memref<64x16384xf32, #tpu.memory_space<vmem>>, vector<64x16384xf32>
    %transpose3A = tpu.transpose %get3A_1, [1, 0] : vector<64x16384xf32> -> vector<16384x64xf32>
    %concatenate3A = tpu.concatenate %transpose3A, %transpose3A in 1 : vector<16384x64xf32>, vector<16384x64xf32> -> vector<16384x128xf32>
    %swap3A = arith.constant 0 : index
    %swap3A_2 = arith.constant 0 : index
    %swap3A_3 = vector.load %arg2[%swap3A, %swap3A_2] : memref<16384x128xf32, #tpu.memory_space<vmem>>, vector<16384x128xf32>
    tpu.vector_store %arg2[%swap3A, %swap3A_2], %concatenate3A {strides = array<i32>} : memref<16384x128xf32, #tpu.memory_space<vmem>>, vector<16384x128xf32>,
    return
  }
  func.func @transform_0(%arg0: i32) -> (i32, i32) {
    %c0_i32 = arith.constant 0 : i32
    %c0_i32_0 = arith.constant 0 : i32
    return %c0_i32, %arg0 : i32, i32
  }
  func.func @transform_1(%arg0: i32) -> (i32, i32) {
    %c0_i32 = arith.constant 0 : i32
    %c0_i32_0 = arith.constant 0 : i32
    return %arg0, %c0_i32 : i32, i32
  }
}

module attributes {stable_mosaic.version = 14 : i64} {
  func.func @body(%arg0: i32, %arg1: memref<2048x128xf32, #tpu.memory_space<vmem>>, %arg2: memref<26x2048xf32, #tpu.memory_space<vmem>>, %arg3: memref<26x128xf32, #tpu.memory_space<vmem>>, %arg4: memref<1x128xf32, #tpu.memory_space<vmem>>, %arg5: memref<1x128xf32, #tpu.memory_space<vmem>>, %arg6: memref<1x128xf32, #tpu.memory_space<vmem>>, %arg7: memref<2048x128xf32, #tpu.memory_space<vmem>>) attributes {dimension_semantics = [#tpu.dimension_semantics<arbitrary>], iteration_bounds = array<i64: 100>, scalar_prefetch = 0 : i64, scratch_operands = 0 : i64, tpu.core_type = #tpu.core_type<tc>, window_params = [{transform_indices = @transform_0, window_bounds = array<i64: 2048, 128>}, {transform_indices = @transform_1, window_bounds = array<i64: 26, 2048>}, {pipeline_mode = #tpu.pipeline_mode<synchronous>, transform_indices = @transform_2, window_bounds = array<i64: 26, 128>}, {pipeline_mode = #tpu.pipeline_mode<synchronous>, transform_indices = @transform_3, window_bounds = array<i64: 1, 128>}, {pipeline_mode = #tpu.pipeline_mode<synchronous>, transform_indices = @transform_4, window_bounds = array<i64: 1, 128>}, {pipeline_mode = #tpu.pipeline_mode<synchronous>, transform_indices = @transform_5, window_bounds = array<i64: 1, 128>}, {transform_indices = @transform_6, window_bounds = array<i64: 2048, 128>}]} {
    %get3A = arith.constant 0 : index
    %get3A_0 = arith.constant 0 : index
    %get3A_1 = vector.load %arg2[%get3A, %get3A_0] : memref<26x2048xf32, #tpu.memory_space<vmem>>, vector<26x2048xf32>
    %get3A_2 = arith.constant 0 : index
    %get3A_3 = arith.constant 0 : index
    %get3A_4 = vector.load %arg3[%get3A_2, %get3A_3] : memref<26x128xf32, #tpu.memory_space<vmem>>, vector<26x128xf32>
    %dot_general3A = arith.constant dense<0.000000e+00> : vector<2048x128xf32>
    %dot_general3A_5 = tpu.matmul %get3A_1, %get3A_4, %dot_general3A {dimension_numbers = #tpu.dot_dimension_numbers<[0], [0], [1], [1], [0, 1, 1, 1], [], []>, transpose_lhs_hint = false} : vector<26x2048xf32>, vector<26x128xf32>, vector<2048x128xf32> -> vector<2048x128xf32>
    %get3A_6 = arith.constant 0 : index
    %get3A_7 = arith.constant 0 : index
    %get3A_8 = vector.load %arg1[%get3A_6, %get3A_7] : memref<2048x128xf32, #tpu.memory_space<vmem>>, vector<2048x128xf32>
    %mul3A = arith.constant 11.3137083 : f32
    %mul3A_9 = vector.broadcast %mul3A : f32 to vector<2048x128xf32>
    %mul3A_10 = arith.mulf %get3A_8, %mul3A_9 : vector<2048x128xf32>
    %add3A = arith.addf %mul3A_10, %dot_general3A_5 : vector<2048x128xf32>
    %get3A_11 = arith.constant 0 : index
    %get3A_12 = arith.constant 0 : index
    %get3A_13 = vector.load %arg4[%get3A_11, %get3A_12] : memref<1x128xf32, #tpu.memory_space<vmem>>, vector<1x128xf32>
    %add3A_14 = vector.broadcast %get3A_13 : vector<1x128xf32> to vector<2048x128xf32>
    %add3A_15 = arith.addf %add3A, %add3A_14 : vector<2048x128xf32>
    %reduce_sum3A = arith.constant dense<0.000000e+00> : vector<2048xf32>
    %reduce_sum3A_16 = vector.multi_reduction <add>, %add3A_15, %reduce_sum3A [1] : vector<2048x128xf32> to vector<2048xf32>
    %broadcast_in_dim3A = vector.shape_cast %reduce_sum3A_16 : vector<2048xf32> to vector<2048x1xf32>
    %div3A = arith.constant 1.280000e+02 : f32
    %div3A_17 = vector.broadcast %div3A : f32 to vector<2048x1xf32>
    %div3A_18 = arith.divf %broadcast_in_dim3A, %div3A_17 : vector<2048x1xf32>
    %sub3A = vector.broadcast %div3A_18 : vector<2048x1xf32> to vector<2048x128xf32>
    %sub3A_19 = arith.subf %add3A_15, %sub3A : vector<2048x128xf32>
    %mul3A_20 = arith.mulf %sub3A_19, %sub3A_19 : vector<2048x128xf32>
    %reduce_sum3A_21 = arith.constant dense<0.000000e+00> : vector<2048xf32>
    %reduce_sum3A_22 = vector.multi_reduction <add>, %mul3A_20, %reduce_sum3A_21 [1] : vector<2048x128xf32> to vector<2048xf32>
    %broadcast_in_dim3A_23 = vector.shape_cast %reduce_sum3A_22 : vector<2048xf32> to vector<2048x1xf32>
    %mul3A_24 = arith.constant 0.00787401571 : f32
    %mul3A_25 = vector.broadcast %mul3A_24 : f32 to vector<2048x1xf32>
    %mul3A_26 = arith.mulf %broadcast_in_dim3A_23, %mul3A_25 : vector<2048x1xf32>
    %get3A_27 = arith.constant 0 : index
    %get3A_28 = arith.constant 0 : index
    %get3A_29 = vector.load %arg5[%get3A_27, %get3A_28] : memref<1x128xf32, #tpu.memory_space<vmem>>, vector<1x128xf32>
    %mul3A_30 = vector.broadcast %get3A_29 : vector<1x128xf32> to vector<2048x128xf32>
    %mul3A_31 = arith.mulf %mul3A_30, %sub3A_19 : vector<2048x128xf32>
    %sqrt3A = math.sqrt %mul3A_26 : vector<2048x1xf32>
    %add3A_32 = arith.constant 9.99999997E-7 : f32
    %add3A_33 = vector.broadcast %add3A_32 : f32 to vector<2048x1xf32>
    %add3A_34 = arith.addf %sqrt3A, %add3A_33 : vector<2048x1xf32>
    %div3A_35 = vector.broadcast %add3A_34 : vector<2048x1xf32> to vector<2048x128xf32>
    %div3A_36 = arith.divf %mul3A_31, %div3A_35 : vector<2048x128xf32>
    %get3A_37 = arith.constant 0 : index
    %get3A_38 = arith.constant 0 : index
    %get3A_39 = vector.load %arg6[%get3A_37, %get3A_38] : memref<1x128xf32, #tpu.memory_space<vmem>>, vector<1x128xf32>
    %add3A_40 = vector.broadcast %get3A_39 : vector<1x128xf32> to vector<2048x128xf32>
    %add3A_41 = arith.addf %div3A_36, %add3A_40 : vector<2048x128xf32>
    %swap3A = arith.constant 0 : index
    %swap3A_42 = arith.constant 0 : index
    %swap3A_43 = vector.load %arg7[%swap3A, %swap3A_42] : memref<2048x128xf32, #tpu.memory_space<vmem>>, vector<2048x128xf32>
    tpu.vector_store %arg7[%swap3A, %swap3A_42], %add3A_41 {strides = array<i32>} : memref<2048x128xf32, #tpu.memory_space<vmem>>, vector<2048x128xf32>,
    return
  }
  func.func @transform_0(%arg0: i32) -> (i32, i32) {
    %c0_i32 = arith.constant 0 : i32
    %c0_i32_0 = arith.constant 0 : i32
    return %arg0, %c0_i32 : i32, i32
  }
  func.func @transform_1(%arg0: i32) -> (i32, i32) {
    %c0_i32 = arith.constant 0 : i32
    %c0_i32_0 = arith.constant 0 : i32
    return %c0_i32, %arg0 : i32, i32
  }
  func.func @transform_2(%arg0: i32) -> (i32, i32) {
    %c0_i32 = arith.constant 0 : i32
    %c0_i32_0 = arith.constant 0 : i32
    %c0_i32_1 = arith.constant 0 : i32
    return %c0_i32, %c0_i32_0 : i32, i32
  }
  func.func @transform_3(%arg0: i32) -> (i32, i32) {
    %c0_i32 = arith.constant 0 : i32
    %c0_i32_0 = arith.constant 0 : i32
    %c0_i32_1 = arith.constant 0 : i32
    return %c0_i32, %c0_i32_0 : i32, i32
  }
  func.func @transform_4(%arg0: i32) -> (i32, i32) {
    %c0_i32 = arith.constant 0 : i32
    %c0_i32_0 = arith.constant 0 : i32
    %c0_i32_1 = arith.constant 0 : i32
    return %c0_i32, %c0_i32_0 : i32, i32
  }
  func.func @transform_5(%arg0: i32) -> (i32, i32) {
    %c0_i32 = arith.constant 0 : i32
    %c0_i32_0 = arith.constant 0 : i32
    %c0_i32_1 = arith.constant 0 : i32
    return %c0_i32, %c0_i32_0 : i32, i32
  }
  func.func @transform_6(%arg0: i32) -> (i32, i32) {
    %c0_i32 = arith.constant 0 : i32
    %c0_i32_0 = arith.constant 0 : i32
    return %arg0, %c0_i32 : i32, i32
  }
}

</mosaic_0001>

<sc_bundles>
// kernel: kernel.5.cloned.1.call-start
scs
__scs_entry_jumppad:
0x0: {  	(pc) =	sbr.rel $0x88, $3  }
0x1: {  	(tag) =	ssettag $0x0;
	lr =	simm.s32 $0x1  }
0x2: {  	[smem:$0x3F96] =	sst lr;
	_ =	strace $0xD0000000  }
0x3: {  	_ = 	snop  }
0x4: {  	_ = 	snop  }
0x5: {  	_ = 	snop  }
0x6: {  	_ = 	snop  }
0x7: {  	_ = 	snop  }
__scs_overlays_trampoline_lowered:
0x8: {  	[smem:$0x3FA5] =	sst s0  }
0x9: {  	[smem:$0x3FA6] =	sst s1  }
0xa: {  	[smem:$0x3FA7] =	sst s2  }
0xb: {  	[smem:$0x3FA8] =	sst s3  }
0xc: {  	[smem:$0x3FA9] =	sst s4  }
0xd: {  	[smem:$0x3FAA] =	sst s5  }
0xe: {  	[smem:$0x3FAB] =	sst s6  }
0xf: {  	[smem:$0x3FAC] =	sst s7  }
0x10: {  	[smem:$0x3FAD] =	sst s8  }
0x11: {  	[smem:$0x3FAE] =	sst s9;
	s0 =	simm.s32 @!p0 $0x0  }
0x12: {  	s1 =	sld [smem:$0x3F94];
	s0 =	simm.s32 @p0 $0x1  }
0x13: {  	[smem:$0x3FAF] =	sst s0;
	s0 =	simm.s32 @!p1 $0x0  }
0x14: {  	s2 =	sld [smem:$0x3F93];
	s0 =	simm.s32 @p1 $0x1  }
0x15: {  	[smem:$0x3FB0] =	sst s0;
	s0 =	simm.s32 @!p2 $0x0  }
0x16: {  	s3 =	sld [smem:$0x3FDB];
	s0 =	simm.s32 @p2 $0x1  }
0x17: {  	s4 =	simm.s32 $0x1BF5;
	[smem:$0x3FB2] =	sst s0  }
0x18: {  	s0 =	sld [smem:$0x3F95];
	_ =	swait.ge [sflag:s4], $0x0  }
0x19: {  	s7 =	sld [smem:$0x3F96]  }
0x1a: {  	s8 =	sadd.s32 $0xFFFFE003, lr  }
0x1b: {  	s9 =	sadd.s32 $0xFFFFFEF7, lr;
	s5 =	simm.s32 $0xFFFFFFFF;
	p2 =	slt.u32 s8, $0xFFFFF086  }
0x1c: {  	p1 =	slt.u32 s9, $0xF7A;
	s5 =	simm.s32 @!p2 $0x0  }
0x1d: {  	s5 =	simm.s32 @p1 $0x1;
	p0 =	seq.s32 s7, s2  }
0x1e: {  	s7 =	smul.u32 @!p0 $0xF7A, s2;
	p2 =	seq.s32 @!p0 s5, $0x0  }
0x1f: {  	s9 =	smul.u32 $0xF7A, s1;
	s8 =	simm.s32 @!p0 $0x1BF5;
	p2 =	por !p2, p0  }
0x20: {  	[sflag:s8] =	ssyncset.s32 @!p0 $0xFFFFF086;
	s6 =	sadd.s32 @!p0 s3, s7;
	s7 =	simm.s32 @!p0 $0x108  }
0x21: {  	s3 =	sadd.s32 s3, s9;
	s6 =	sadd.s32 @!p0 $0x88, s6;
	s7 =	simm.s32 @p2 $0x1082  }
0x22: {  	[simem:s7], [sflag:s8] =	dma.local @!p0 [hbm:s6], $0xF7A  }
0x23: {  	s9 =	sor.u32 $0xD0000000, s2;
	s6 =	simm.s32 $0x108;
	_ =	swait.ge @!p0 [sflag:s8], $0x0  }
0x24: {  	s3 =	sadd.s32 $0x88, s3;
	s6 =	simm.s32 @!p1 $0x1082;
	[sflag:s4] =	ssyncset.s32 $0xFFFFF086  }
0x25: {  	[simem:s6], [sflag:s4] =	dma.local [hbm:s3], $0xF7A  }
0x26: {  	[smem:$0x3F96] =	sst s1;
	(tag) =	ssettag s2;
	_ =	strace s9  }
0x27: {  	s1 =	sld [smem:$0x3FA6]  }
0x28: {  	s2 =	sld [smem:$0x3FA7]  }
0x29: {  	s4 =	sld [smem:$0x3FA9]  }
0x2a: {  	p0 =	seq.s32 s5, $0x0;
	s5 =	sld [smem:$0x3FAA]  }
0x2b: {  	s6 =	sld [smem:$0x3FAB]  }
0x2c: {  	s7 =	sld [smem:$0x3FAC]  }
0x2d: {  	s3 =	simm.s32 $0x108;
	s8 =	sld [smem:$0x3FAD]  }
0x2e: {  	s3 =	simm.s32 @!p0 $0x1082;
	s9 =	sld [smem:$0x3FAE]  }
0x2f: {  	lr =	sadd.s32 s0, s3;
	s0 =	sld [smem:$0x3FA5]  }
0x30: {  	s3 =	sld [smem:$0x3FA8]  }
0x31: {  	[smem:$0x3FB1] =	sst s10  }
0x32: {  	s10 =	sld [smem:$0x3FAF];
	_ =	sdelay $0x3  }
0x33: {  	p0 =	seq.s32 s10, $0x1;
	s10 =	sld [smem:$0x3FB1];
	_ =	sdelay $0x3  }
0x34: {  	[smem:$0x3FB1] =	sst s10  }
0x35: {  	s10 =	sld [smem:$0x3FB0];
	_ =	sdelay $0x3  }
0x36: {  	p1 =	seq.s32 s10, $0x1;
	s10 =	sld [smem:$0x3FB1];
	_ =	sdelay $0x3  }
0x37: {  	[smem:$0x3FB1] =	sst s10  }
0x38: {  	s10 =	sld [smem:$0x3FB2]  }
0x39: {  	_ = 	snop;
	(pc) =	sbr.ind lr, $3  }
0x3a: {  	_ = 	snop  }
0x3b: {  	_ = 	snop  }
0x3c: {  	p2 =	seq.s32 s10, $0x1;
	s10 =	sld [smem:$0x3FB1]  }
0x3d: {  	_ =	shalt  }
0x3e: {  	_ =	shalt  }
0x3f: {  	_ =	shalt  }
0x40: {  	_ =	shalt  }
0x41: {  	_ =	shalt  }
0x42: {  	_ =	shalt  }
0x43: {  	_ =	shalt  }
0x44: {  	_ =	shalt  }
0x45: {  	_ =	shalt  }
0x46: {  	_ =	shalt  }
0x47: {  	_ =	shalt  }
0x48: {  	_ =	shalt  }
0x49: {  	_ =	shalt  }
0x4a: {  	_ =	shalt  }
0x4b: {  	_ =	shalt  }
0x4c: {  	_ =	shalt  }
0x4d: {  	_ =	shalt  }
0x4e: {  	_ =	shalt  }
0x4f: {  	_ =	shalt  }
0x50: {  	_ =	shalt  }
0x51: {  	_ =	shalt  }
0x52: {  	_ =	shalt  }
0x53: {  	_ =	shalt  }
0x54: {  	_ =	shalt  }
0x55: {  	_ =	shalt  }
0x56: {  	_ =	shalt  }
0x57: {  	_ =	shalt  }
0x58: {  	_ =	shalt  }
0x59: {  	_ =	shalt  }
0x5a: {  	_ =	shalt  }
0x5b: {  	_ =	shalt  }
0x5c: {  	_ =	shalt  }
0x5d: {  	_ =	shalt  }
0x5e: {  	_ =	shalt  }
0x5f: {  	_ =	shalt  }
0x60: {  	_ =	shalt  }
0x61: {  	_ =	shalt  }
0x62: {  	_ =	shalt  }
0x63: {  	_ =	shalt  }
0x64: {  	_ =	shalt  }
0x65: {  	_ =	shalt  }
0x66: {  	_ =	shalt  }
0x67: {  	_ =	shalt  }
0x68: {  	_ =	shalt  }
0x69: {  	_ =	shalt  }
0x6a: {  	_ =	shalt  }
0x6b: {  	_ =	shalt  }
0x6c: {  	_ =	shalt  }
0x6d: {  	_ =	shalt  }
0x6e: {  	_ =	shalt  }
0x6f: {  	_ =	shalt  }
0x70: {  	_ =	shalt  }
0x71: {  	_ =	shalt  }
0x72: {  	_ =	shalt  }
0x73: {  	_ =	shalt  }
0x74: {  	_ =	shalt  }
0x75: {  	_ =	shalt  }
0x76: {  	_ =	shalt  }
0x77: {  	_ =	shalt  }
0x78: {  	_ =	shalt  }
0x79: {  	_ =	shalt  }
0x7a: {  	_ =	shalt  }
0x7b: {  	_ =	shalt  }
0x7c: {  	_ =	shalt  }
0x7d: {  	_ =	shalt  }
0x7e: {  	_ =	shalt  }
0x7f: {  	_ =	shalt  }
0x80: {  	_ =	shalt  }
0x81: {  	_ =	shalt  }
0x82: {  	_ =	shalt  }
0x83: {  	_ =	shalt  }
0x84: {  	_ =	shalt  }
0x85: {  	_ =	shalt  }
0x86: {  	_ =	shalt  }
0x87: {  	_ =	shalt  }
.Lfunc_end0:
.L_simem_size_0:
called_computation_lowered:
.L_overlay_start_0:
0x88: {  	s2 =	sld [smem:$0x3FD9]  }
0x89: {  	s3 =	sld [smem:$0x3FFE];
	_ =	sdelay $0x1  }
0x8a: {  	s1 =	srdreg.scid  }
0x8b: {  	s0 =	sand.u32 $0x1, s1  }
0x8c: {  	s16 =	sshll.u32 s0, $0xA;
	s2 =	sadd.s32 s3, s2  }
0x8d: {  	s2 =	sadd.s32 s2, s16  }
0x8e: {  	[smem:$0x3FBD] =	sst s2  }
0x8f: {  	_ = 	snop  }
0x90: {  	(tm) =	ssettm $0x1  }
0x91: {  	s17 =	sld [smem:$0x3FFB];
	_ =	sdelay $0x3  }
0x92: {  	_ =	strace s17  }
0x93: {  	s2 =	sld [smem:$0x3FFC];
	_ =	sdelay $0x3  }
0x94: {  	_ =	strace s2  }
0x95: {  	s2 =	sld [smem:$0x3FFD];
	_ =	sdelay $0x3  }
0x96: {  	_ =	strace s2  }
0x97: {  	_ =	strace $0x8FFFFFFF  }
0x98: {  	s18 =	sld [smem:$0x3FDB];
	_ =	sdelay $0x1  }
0x99: {  	s19 =	simm.s32 $_scs_section_size  }
0x9a: {  	s4 =	simm.s32 $_size__tile_overlayer_lowered;
	s5 =	simm.s32 $_tile_overlayer_lowered  }
0x9b: {  	s22 =	simm.s32 $0x1BFF;
	s21 =	sshll.u32 s5, $0x1;
	s2 =	sadd.s32 s19, s18  }
0x9c: {  	s6 =	simm.s32 $0x0;
	s20 =	sshll.u32 s4, $0x1;
	s4 =	sadd.s32 s21, s2  }
0x9d: {  	[timem:s6], [sflag:s22] =	dma.local [hbm:s4], s20  }
0x9e: {  	_ =	swait.ge [sflag:s22], s20  }
0x9f: {  	s3 =	ssub.s32 $0x0, s20;
	[sflag:s22] =	ssyncset.done $0x0  }
0xa0: {  	[sflag:s22] =	ssyncadd.s32 s3;
	_ =	sdelay $0x1  }
0xa1: {  	s23 =	simm.s32 $0x1B8B  }
0xa2: {  	_ =	swait.ge [sflag:s23], $0x1  }
0xa3: {  	[sflag:s23] =	ssyncset.done $0x0  }
0xa4: {  	s25 =	simm.s32 $0x1B8E;
	s24 =	sld [smem:$0x3FFE];
	[sflag:s23] =	ssyncadd.s32 $0xFFFFFFFF  }
0xa5: {  	s26 =	simm.s32 $execute0_lowered;
	[smem:$0x3FD2] =	sst s25  }
0xa6: {  	s4 =	sshll.u32 s26, $0x1;
	_ =	strace $0x80000046;
	[dreg:$0x1] =	wrdreg $0xFFFFFFFF  }
0xa7: {  	s28 =	simm.s32 $_size_execute0_lowered;
	s2 =	sadd.s32 s2, s4;
	[dreg:$0x0] =	wrdreg $0x0  }
0xa8: {  	s4 =	sshll.u32 s28, $0x1;
	[dreg:$0x2] =	wrdreg s2  }
0xa9: {  	[dreg:$0x3] =	wrdreg s4  }
0xaa: {  	[dreg:$0x4] =	wrdreg $0xC0  }
0xab: {  	_ =	task [dreg:s6], $0x5FFFF  }
0xac: {  	[dreg:$0x1] =	wrdreg $0xFFFFFFFF  }
0xad: {  	[dreg:$0x0] =	wrdreg $0x60  }
0xae: {  	[dreg:$0x2] =	wrdreg s24  }
0xaf: {  	[dreg:$0x3] =	wrdreg $0x9  }
0xb0: {  	_ =	task.clear_ibuf [dreg:s6], $0x4FFFF;
	_ =	strace $0x90000046  }
0xb1: {  	s29 =	simm.s32 $0x9;
	_ =	strace $0x80000048  }
0xb2: {  	_ =	swait.ge [sflag:s29], $0x1  }
0xb3: {  	[sflag:s29] =	ssyncadd.s32 $0xFFFFFFFF  }
0xb4: {  	_ =	strace $0x90000048  }
0xb5: {  	_ =	sfence  }
0xb6: {  	s30 =	sld [smem:$0x0];
	_ =	sdelay $0x2  }
0xb7: {  	s31 =	sshll.u32 s1, $0xD;
	s1 =	sshrl.u32 s1, $0x2  }
0xb8: {  	s3 =	sand.u32 $0x4000, s31;
	s1 =	sadd.s32 s1, s30  }
0xb9: {  	s0 =	sor.u32 s3, s0;
	s1 =	sshll.u32 s1, $0x11  }
0xba: {  	s0 =	sor.u32 s1, s0  }
0xbb: {  	s0 =	sadd.s32 $0x8F2B, s0  }
0xbc: {  	[sflag:s0] =	ssyncadd.remote.s32 $0x1  }
0xbd: {  	_ =	sfence.sel $0xFFFF  }
0xbe: {  	[dreg:$0x0] =	wrdreg $0xFFFFFFFF;
	(pc) =	sbr.abs _section_cstart, $3  }
0xbf: {  	[dreg:$0x1] =	wrdreg $0xFFFFFFFF  }
0xc0: {  	_ =	task.clear_ibuf [dreg:s6], $0x2FFFF;
	_ =	strace $0x9FFFFFFF  }
0xc1: {  	(tm) =	ssettm $0x7FFFFFFF  }
tec
execute0_lowered:
.L_overlay_start_1:
0x0: {  	(tag) =	ssettag $0x1  }
0x1: {  	s0 =	rddreg [dreg:$0x0];
	s1 =	simm.s32 $0x0  }
0x2: {  	s3 =	srdreg.scid;
	s8 =	stileid.u32;
	s14 =	simm.s32 $0x2  }
0x3: {  	s15 =	simm.s32 $0x280;
	s16 =	simm.s32 $0x500;
	s17 =	simm.s32 $0x80  }
0x4: {  	s18 =	simm.s32 $0x14780;
	s19 =	simm.s32 $0x19780;
	s24 =	simm.s32 $0x10780  }
0x5: {  	s28 =	simm.s32 $0x700;
	s29 =	simm.s32 $0x1D780;
	s30 =	simm.s32 $0x1  }
0x6: {  	s31 =	simm.s32 $0x20;
	s2 =	sadd.s32 $0x1014A00, s0;
	s4 =	sadd.s32 $0x100E600, s0  }
0x7: {  	[smem:$0x7FF] =	sst s1;
	s5 =	sadd.s32 $0x1008200, s0;
	s6 =	sadd.s32 $0x2600, s0  }
0x8: {  	s7 =	sadd.s32 $0xFA6600, s0;
	s3 =	sand.u32 $0x1, s3;
	s9 =	sshll.u32 s8, $0x1  }
0x9: {  	s8 =	sadd.s32 $0xF44A00, s0;
	_ =	strace $0x80000047;
	s11 =	ssub.s32 $0x2, s3  }
0xa: {  	s3 =	sor.u32 s3, s9;
	s9 =	sadd.s32 $0x101AE00, s0;
	s12 =	sshrl.u32 s11, $0x1  }
0xb: {  	s10 =	smul.u32 $0xA, s3;
	s3 =	simm.s32 $0x0;
	s25 =	ssub.s32 s11, s12  }
0xc: {  	s11 =	sadd.s32 $0x101AE08, s0;
	s12 =	sadd.s32 $0x101AE0C, s0;
	s26 =	smax.u32 s25, $0x1  }
0xd: {  	s25 =	simm.s32 $0x480;
	[dreg:$0x2] =	wrdreg s26;
	s26 =	simm.s32 $0x18780  }
.LBB2_1:
0xe: {  	[dreg:$0x3] =	wrdreg s3;
	s0 =	simm.s32 $0x0  }
.LBB2_2:
0xf: {  	s13 =	sadd.s32 s10, s0  }
0x10: {  	s3 =	smul.u32 $0x50, s13;
	_ =	sdelay $0x1  }
0x11: {  	s21 =	simm.s32 $0x0;
	s20 =	sadd.s32 s2, s3  }
0x12: {  	[tilespmem:s21], [sflag:$0x2] =	stream.linear.gather [hbm4b:s20+s21], $0x280, $0x38;
	[tilespmem:$0x1E780] =	vst v63  }
0x13: {  	_ =	swait.ge [sflag:s14], $0x280  }
0x14: {  	[sflag:s14] =	ssyncset.done $0x0  }
0x15: {  	s23 =	sadd.s32 s4, s3;
	[sflag:s14] =	ssyncadd.s32 $0xFFFFFD80  }
0x16: {  	[tilespmem:s15], [sflag:$0x2] =	stream.linear.gather [hbm4b:s23+s21], $0x280, $0x38;
	[tilespmem:$0x1E780] =	vst v63  }
0x17: {  	_ =	swait.ge [sflag:s14], $0x280  }
0x18: {  	[sflag:s14] =	ssyncset.done $0x0  }
0x19: {  	s3 =	sadd.s32 s5, s3;
	[sflag:s14] =	ssyncadd.s32 $0xFFFFFD80  }
0x1a: {  	[tilespmem:s16], [sflag:$0x2] =	stream.linear.gather [hbm4b:s3+s21], $0x280, $0x38;
	[tilespmem:$0x1E780] =	vst v63  }
0x1b: {  	_ =	swait.ge [sflag:s14], $0x280  }
0x1c: {  	[sflag:s14] =	ssyncset.done $0x0  }
0x1d: {  	s3 =	simm.s32 $0x780;
	[sflag:s14] =	ssyncadd.s32 $0xFFFFFD80  }
0x1e: {  	[tilespmem:s3], [sflag:$0x1] =	stream.indirect.gather [hbm4b:s6+s17], $0x80, s21, s17, $0xb8;
	[tilespmem:$0x1E780] =	vst v63  }
0x1f: {  	_ = 	snop  }
0x20: {  	[tilespmem:s18], [sflag:$0x1] =	stream.indirect.gather [hbm4b:s7+s17], $0x20, s15, s17, $0xb8;
	[tilespmem:$0x1E780] =	vst v63  }
0x21: {  	_ = 	snop  }
0x22: {  	[tilespmem:s19], [sflag:$0x1] =	stream.indirect.gather [hbm4b:s8+s17], $0x20, s16, s17, $0xb8;
	[tilespmem:$0x1E780] =	vst v63  }
0x23: {  	s21 =	simm.s32 $0x4780  }
0x24: {  	[tilespmem:s21], [sflag:$0x1] =	stream.indirect.gather [hbm4b:s6+s17], $0x80, s17, s17, $0xb8;
	[tilespmem:$0x1E780] =	vst v63  }
0x25: {  	s22 =	simm.s32 $0x300;
	s23 =	simm.s32 $0x15780  }
0x26: {  	[tilespmem:s23], [sflag:$0x1] =	stream.indirect.gather [hbm4b:s7+s17], $0x20, s22, s17, $0xb8;
	[tilespmem:$0x1E780] =	vst v63  }
0x27: {  	s22 =	simm.s32 $0x580;
	s23 =	simm.s32 $0x1A780  }
0x28: {  	[tilespmem:s23], [sflag:$0x1] =	stream.indirect.gather [hbm4b:s8+s17], $0x20, s22, s17, $0xb8;
	[tilespmem:$0x1E780] =	vst v63  }
0x29: {  	s22 =	simm.s32 $0x100;
	s23 =	simm.s32 $0x8780  }
0x2a: {  	[tilespmem:s23], [sflag:$0x1] =	stream.indirect.gather [hbm4b:s6+s17], $0x80, s22, s17, $0xb8;
	[tilespmem:$0x1E780] =	vst v63  }
0x2b: {  	s22 =	simm.s32 $0x380;
	s23 =	simm.s32 $0x16780  }
0x2c: {  	[tilespmem:s23], [sflag:$0x1] =	stream.indirect.gather [hbm4b:s7+s17], $0x20, s22, s17, $0xb8;
	[tilespmem:$0x1E780] =	vst v63  }
0x2d: {  	s22 =	simm.s32 $0x600;
	s23 =	simm.s32 $0x1B780  }
0x2e: {  	[tilespmem:s23], [sflag:$0x1] =	stream.indirect.gather [hbm4b:s8+s17], $0x20, s22, s17, $0xb8;
	[tilespmem:$0x1E780] =	vst v63  }
0x2f: {  	s22 =	simm.s32 $0x180;
	s23 =	simm.s32 $0xC780  }
0x30: {  	[tilespmem:s23], [sflag:$0x1] =	stream.indirect.gather [hbm4b:s6+s17], $0x80, s22, s17, $0xb8;
	[tilespmem:$0x1E780] =	vst v63  }
0x31: {  	s22 =	simm.s32 $0x400;
	s23 =	simm.s32 $0x17780  }
0x32: {  	[tilespmem:s23], [sflag:$0x1] =	stream.indirect.gather [hbm4b:s7+s17], $0x20, s22, s17, $0xb8;
	[tilespmem:$0x1E780] =	vst v63  }
0x33: {  	s21 =	simm.s32 $0x680;
	s22 =	simm.s32 $0x1C780  }
0x34: {  	[tilespmem:s22], [sflag:$0x1] =	stream.indirect.gather [hbm4b:s8+s17], $0x20, s21, s17, $0xb8;
	[tilespmem:$0x1E780] =	vst v63  }
0x35: {  	s23 =	simm.s32 $0x200  }
0x36: {  	[tilespmem:s24], [sflag:$0x1] =	stream.indirect.gather [hbm4b:s6+s17], $0x80, s23, s17, $0xb8;
	[tilespmem:$0x1E780] =	vst v63  }
0x37: {  	_ = 	snop  }
0x38: {  	[tilespmem:s26], [sflag:$0x1] =	stream.indirect.gather [hbm4b:s7+s17], $0x20, s25, s17, $0xb8;
	[tilespmem:$0x1E780] =	vst v63  }
0x39: {  	_ = 	snop  }
0x3a: {  	[tilespmem:s29], [sflag:$0x1] =	stream.indirect.gather [hbm4b:s8+s17], $0x20, s28, s17, $0xb8;
	[tilespmem:$0x1E780] =	vst v63  }
0x3b: {  	_ =	swait.ge [sflag:s30], $0x4000  }
0x3c: {  	[sflag:s30] =	ssyncset.done $0x0  }
0x3d: {  	[sflag:s30] =	ssyncadd.s32 $0xFFFFC000  }
0x3e: {  	_ =	swait.ge [sflag:s30], $0x1000  }
0x3f: {  	[sflag:s30] =	ssyncset.done $0x0  }
0x40: {  	[sflag:s30] =	ssyncadd.s32 $0xFFFFF000  }
0x41: {  	_ =	swait.ge [sflag:s30], $0x1000  }
0x42: {  	[sflag:s30] =	ssyncset.done $0x0  }
0x43: {  	[sflag:s30] =	ssyncadd.s32 $0xFFFFF000  }
0x44: {  	_ =	swait.ge [sflag:s30], $0x4000  }
0x45: {  	[sflag:s30] =	ssyncset.done $0x0  }
0x46: {  	[sflag:s30] =	ssyncadd.s32 $0xFFFFC000  }
0x47: {  	_ =	swait.ge [sflag:s30], $0x1000  }
0x48: {  	[sflag:s30] =	ssyncset.done $0x0  }
0x49: {  	[sflag:s30] =	ssyncadd.s32 $0xFFFFF000  }
0x4a: {  	_ =	swait.ge [sflag:s30], $0x1000  }
0x4b: {  	[sflag:s30] =	ssyncset.done $0x0  }
0x4c: {  	[sflag:s30] =	ssyncadd.s32 $0xFFFFF000  }
0x4d: {  	_ =	swait.ge [sflag:s30], $0x4000  }
0x4e: {  	[sflag:s30] =	ssyncset.done $0x0  }
0x4f: {  	[sflag:s30] =	ssyncadd.s32 $0xFFFFC000  }
0x50: {  	_ =	swait.ge [sflag:s30], $0x1000  }
0x51: {  	[sflag:s30] =	ssyncset.done $0x0  }
0x52: {  	[sflag:s30] =	ssyncadd.s32 $0xFFFFF000  }
0x53: {  	_ =	swait.ge [sflag:s30], $0x1000  }
0x54: {  	[sflag:s30] =	ssyncset.done $0x0  }
0x55: {  	[sflag:s30] =	ssyncadd.s32 $0xFFFFF000  }
0x56: {  	_ =	swait.ge [sflag:s30], $0x4000  }
0x57: {  	[sflag:s30] =	ssyncset.done $0x0  }
0x58: {  	[sflag:s30] =	ssyncadd.s32 $0xFFFFC000  }
0x59: {  	_ =	swait.ge [sflag:s30], $0x1000  }
0x5a: {  	[sflag:s30] =	ssyncset.done $0x0  }
0x5b: {  	[sflag:s30] =	ssyncadd.s32 $0xFFFFF000  }
0x5c: {  	_ =	swait.ge [sflag:s30], $0x1000  }
0x5d: {  	[sflag:s30] =	ssyncset.done $0x0  }
0x5e: {  	[sflag:s30] =	ssyncadd.s32 $0xFFFFF000  }
0x5f: {  	_ =	swait.ge [sflag:s30], $0x4000  }
0x60: {  	[sflag:s30] =	ssyncset.done $0x0  }
0x61: {  	[sflag:s30] =	ssyncadd.s32 $0xFFFFC000  }
0x62: {  	_ =	swait.ge [sflag:s30], $0x1000  }
0x63: {  	[sflag:s30] =	ssyncset.done $0x0  }
0x64: {  	s13 =	smul.u32 $0x2800, s13;
	[sflag:s30] =	ssyncadd.s32 $0xFFFFF000  }
0x65: {  	_ =	swait.ge [sflag:s30], $0x1000  }
0x66: {  	s20 =	sadd.s32 s9, s13;
	s21 =	simm.s32 $0x10;
	[sflag:s30] =	ssyncset.done $0x0  }
0x67: {  	s22 =	simm.s32 $0x800;
	s23 =	sadd.s32 $0x0, s20;
	[sflag:s30] =	ssyncadd.s32 $0xFFFFF000  }
.LBB2_3:
0x68: {  	[hbm4b:s23+s1] =	stream.linear.scatter [tilespmem:s3], [sflag:$0x2], $0x40, $0x38;
	[tilespmem:$0x1E780] =	vst v63  }
0x69: {  	s23 =	smov.u32 s21;
	s3 =	smov.u32 s22;
	p0 =	sne.s32 s21, $0x27F0  }
.Ltmp0:
0x6a: {  	s21 =	sadd.s32 $0x10, s21;
	(pc) =	sbr.rel @p0 .LBB2_3-.Ltmp0, $2  }
0x6b: {  	_ =	sdelay $0x2  }
0x6c: {  	s22 =	sadd.s32 $0x80, s22;
	s23 =	sadd.s32 s23, s20  }
0x6d: {  	[hbm4b:s23+s1] =	stream.linear.scatter [tilespmem:s3], [sflag:$0x2], $0x40, $0x38;
	[tilespmem:$0x1E780] =	vst v63  }
0x6e: {  	_ =	swait.ge [sflag:s14], $0xA000  }
0x6f: {  	[sflag:s14] =	ssyncset.done $0x0  }
0x70: {  	s22 =	sadd.s32 s13, s11;
	[sflag:s14] =	ssyncadd.s32 $0xFFFF6000  }
0x71: {  	[hbm4b:s22+s31] =	stream.strided.scatter [tilespmem:s18], [sflag:$0x2], $0x5000, s17, s31, $0x38;
	[tilespmem:$0x1E780] =	vst v63  }
0x72: {  	s0 =	sadd.s32 $0x1, s0;
	_ =	swait.ge [sflag:s14], $0x5000  }
0x73: {  	p0 =	sne.s32 s0, $0xA;
	[sflag:s14] =	ssyncset.done $0x0  }
.Ltmp1:
0x74: {  	s23 =	sadd.s32 s13, s12;
	[sflag:s14] =	ssyncadd.s32 $0xFFFFB000;
	(pc) =	sbr.rel @p0 .LBB2_2-.Ltmp1, $4  }
0x75: {  	[hbm4b:s23+s31] =	stream.strided.scatter [tilespmem:s19], [sflag:$0x2], $0x5000, s17, s31, $0x38;
	[tilespmem:$0x1E780] =	vst v63  }
0x76: {  	_ =	swait.ge [sflag:s14], $0x5000  }
0x77: {  	[sflag:s14] =	ssyncset.done $0x0  }
0x78: {  	[sflag:s14] =	ssyncadd.s32 $0xFFFFB000  }
0x79: {  	s3 =	rddreg [dreg:$0x3]  }
0x7a: {  	s0 =	rddreg [dreg:$0x2];
	s3 =	sadd.s32 $0x1, s3  }
0x7b: {  	p0 =	sne.s32 s3, s0  }
.Ltmp2:
0x7c: {  	_ = 	snop;
	(pc) =	sbr.rel @p0 .LBB2_1-.Ltmp2, $1  }
0x7d: {  	_ =	sdelay $0x3  }
0x7e: {  	_ =	sfence.sel $0x180000  }
0x7f: {  	[bflag:$0x0] =	sbarrier.arrive $0xFFFF  }
0x80: {  	_ =	strace $0x90000047  }
0x81: {  	s0 =	stileid.u32;
	[bflag:$0x2] =	sbarrier.arrive $0xFFFF  }
0x82: {  	p0 =	sne.s32 s0, $0x0;
	s0 =	rddreg [dreg:$0x1]  }
0x83: {  	s0 =	sadd.s32 @!p0 $0x100000, s0  }
0x84: {  	[sflag:s0] =	ssyncadd.tile.s32 @!p0 $0x1;
	_ =	shalt  }
.Lfunc_end2:
_tile_overlayer_lowered:
.L_overlay_start_2:
0x85: {  	(tag) =	ssettag $0x2  }
0x86: {  	s0 =	rddreg [dreg:$0x0];
	s2 =	stileid.u32  }
0x87: {  	s1 =	rddreg [dreg:$0x1];
	p0 =	sne.s32 s2, $0x0  }
0x88: {  	s3 =	rddreg [dreg:$0x2];
	[bflag:$0x3] =	sbarrier.arrive $0xFFFF;
	s2 =	simm.s32 @!p0 $0x1C02  }
0x89: {  	[timem:s3], [sflag:s2] =	dma.local @!p0 [hbm:s0], s1  }
0x8a: {  	s0 =	simm.s32 @!p0 $0x2  }
0x8b: {  	_ =	swait.ge @!p0 [sflag:s0], s1  }
0x8c: {  	s1 =	ssub.s32 @!p0 $0x0, s1;
	[sflag:s0] =	ssyncset.done @!p0 $0x0  }
0x8d: {  	[sflag:s0] =	ssyncadd.s32 @!p0 s1  }
0x8e: {  	[bflag:$0x3] =	sbarrier.arrive $0xFFFF  }
0x8f: {  	_ =	shalt  }

</sc_bundles>
